<compile_context>
chip_gen: v7x
topology: tpu7x:2x2x1
jax: 0.10.2.dev20260603
libtpu: 0.0.44.dev20260713+nightly
codegen_flags: <defaults>
</compile_context>

<pallas_src>
import jax
import jax.numpy as jnp
from jax import lax
from jax.experimental import pallas as pl
from jax.experimental.pallas import tpu as pltpu
from jax.experimental.pallas import tpu_sc as plsc

VX, VY, VZ = 0.16, 0.16, 4.0
X0, Y0, Z0 = 0.0, -39.68, -3.0
WG, HG, DG = 432, 496, 1
M, P, NB, CF = 40000, 32, 4, 64
EPS = 1e-3

HW = HG * WG
NHW = NB * HW
TOT = NB * CF * HW
BM = 512
MP = 40960
GRID = MP // BM
NHWP = NHW + 512
ZROW = NHWP // GRID
KP = 8
NPMAT = P // KP

NSUB = 16
REG = NHW // NSUB
REG_PAD = REG + 16
CHUNK = 2048
NCHUNK = MP // CHUNK
NTILE = 32
PPT = MP // NTILE
SUB = 256
NSUBCH = PPT // SUB
INV_MP = 1.0 / float(M * P)


def _vfe_body(vft_ref, cds_ref, npf_ref, wp_ref,
              xmax_ref, dest_ref, stats_ref, dz_ref, acc_ref):
    i = pl.program_id(0)
    npv = npf_ref[...]
    npc = jnp.maximum(npv, 1.0)
    maskf = (lax.broadcasted_iota(jnp.int32, (P, BM), 0).astype(jnp.float32)
             < npv).astype(jnp.float32)
    xs = vft_ref[0]
    ys = vft_ref[1]
    zs = vft_ref[2]
    it = vft_ref[3]
    mx = jnp.sum(xs * maskf, axis=0, keepdims=True) / npc
    my = jnp.sum(ys * maskf, axis=0, keepdims=True) / npc
    mz = jnp.sum(zs * maskf, axis=0, keepdims=True) / npc
    cxf = cds_ref[3:4, :] * VX + (VX / 2 + X0)
    cyf = cds_ref[2:3, :] * VY + (VY / 2 + Y0)
    czf = cds_ref[1:2, :] * VZ + (VZ / 2 + Z0)
    feats = [xs * maskf, ys * maskf, zs * maskf, it * maskf,
             (xs - mx) * maskf, (ys - my) * maskf, (zs - mz) * maskf,
             (xs - cxf) * maskf, (ys - cyf) * maskf, (zs - czf) * maskf]
    m_acc = None
    s1_acc = None
    s2_acc = None
    for g in range(NPMAT):
        fg = jnp.concatenate([f[g * KP:(g + 1) * KP, :] for f in feats],
                             axis=0)
        xg = lax.dot_general(fg, wp_ref[...], (((0,), (0,)), ((), ())),
                             preferred_element_type=jnp.float32)
        for j in range(KP):
            blk = xg[:, j * CF:(j + 1) * CF]
            if m_acc is None:
                m_acc, s1_acc, s2_acc = blk, blk, blk * blk
            else:
                m_acc = jnp.maximum(m_acc, blk)
                s1_acc = s1_acc + blk
                s2_acc = s2_acc + blk * blk
    xmax_ref[...] = m_acc
    ps1 = jnp.sum(s1_acc, axis=0)[None, :]
    ps2 = jnp.sum(s2_acc, axis=0)[None, :]

    @pl.when(i == 0)
    def _init():
        acc_ref[...] = jnp.zeros_like(acc_ref)

    acc_ref[0:1, 0:CF] = acc_ref[0:1, 0:CF] + ps1
    acc_ref[1:2, 0:CF] = acc_ref[1:2, 0:CF] + ps2

    @pl.when(i == GRID - 1)
    def _fin():
        stats_ref[...] = acc_ref[...]

    bf = cds_ref[0:1, :]
    destf = (bf * HG + cds_ref[2:3, :]) * WG + cds_ref[3:4, :]
    destf = jnp.where(npv > 0.0, destf, float(NHW))
    dest_ref[...] = destf.astype(jnp.int32)
    dz_ref[...] = jnp.zeros((ZROW, CF), jnp.float32)


def _run_vfe(vft, cds, npf, wp, interpret=False):
    return pl.pallas_call(
        _vfe_body,
        grid=(GRID,),
        in_specs=[
            pl.BlockSpec((4, P, BM), lambda i: (0, 0, i)),
            pl.BlockSpec((4, BM), lambda i: (0, i)),
            pl.BlockSpec((1, BM), lambda i: (0, i)),
            pl.BlockSpec((KP * 10, KP * CF), lambda i: (0, 0)),
        ],
        out_specs=[
            pl.BlockSpec((BM, CF), lambda i: (i, 0)),
            pl.BlockSpec((1, BM), lambda i: (0, i)),
            pl.BlockSpec((8, 128), lambda i: (0, 0)),
            pl.BlockSpec((ZROW, CF), lambda i: (i, 0)),
        ],
        out_shape=[
            jax.ShapeDtypeStruct((MP, CF), jnp.float32),
            jax.ShapeDtypeStruct((1, MP), jnp.int32),
            jax.ShapeDtypeStruct((8, 128), jnp.float32),
            jax.ShapeDtypeStruct((NHWP, CF), jnp.float32),
        ],
        scratch_shapes=[pltpu.VMEM((8, 128), jnp.float32)],
        interpret=interpret,
    )(vft, cds, npf, wp)


def _sc_body(dense_ref, xmax_ref, dest_ref, stats_ref, ga_ref,
             be_ref, reg_v, rows_v, dst_v, mst_v, ridx_v, tmp_v,
             sc_v, sh_v, st_v, st2_v, gv_v, bv_v, grid_sp, sem, sem2):
    sid = lax.axis_index("s")
    cid = lax.axis_index("c")
    wid = sid * 2 + cid
    lane = lax.broadcasted_iota(jnp.int32, (16,), 0)
    base = sid * REG

    tmp_v[pl.ds(16, 16)] = jnp.full((16,), jnp.int32(1 << 30))

    def chunk_a(ch, _):
        pltpu.sync_copy(dest_ref.at[pl.ds(ch * 16, 16)], dst_v)

        def row_a(j, _):
            def sub_a(l, _):
                d = dst_v[j, pl.ds(l * 16, 16)]
                mvec = ch * CHUNK + j * 128 + l * 16 + lane
                local = d - base
                inb = (local >= 0) & (local < REG)
                keyloc = jnp.where(inb, local, REG)
                key = (keyloc << 4) | lane
                ks, vs = plsc.sort_key_val(key, mvec)
                tmp_v[pl.ds(0, 16)] = ks
                sh = plsc.load_gather(tmp_v, [lane + 1])
                locs = ks >> 4
                keep = ((locs != (sh >> 4)) | (lane == 15)) & (locs < REG)
                plsc.store_scatter(reg_v, [locs], vs, mask=keep)
                return 0

            lax.fori_loop(0, 8, sub_a, 0)
            return 0

        lax.fori_loop(0, 16, row_a, 0)
        plsc.subcore_barrier()
        return 0

    lax.fori_loop(0, NCHUNK, chunk_a, 0)
    pltpu.sync_copy(reg_v.at[pl.ds(0, REG)], grid_sp.at[pl.ds(base, REG)])
    plsc.subcore_barrier()

    pltpu.sync_copy(stats_ref.at[0], st_v)
    pltpu.sync_copy(stats_ref.at[1], st2_v)
    pltpu.sync_copy(ga_ref, gv_v)
    pltpu.sync_copy(be_ref, bv_v)
    for t in range(CF // 16):
        s1 = st_v[pl.ds(t * 16, 16)]
        s2 = st2_v[pl.ds(t * 16, 16)]
        mu = s1 * INV_MP
        var = s2 * INV_MP - mu * mu
        x = var + EPS
        xi = plsc.bitcast(x, jnp.int32)
        y = plsc.bitcast(jnp.int32(0x5F3759DF) - (xi >> 1), jnp.float32)
        for _ in range(3):
            y = y * (1.5 - 0.5 * x * y * y)
        sc = gv_v[pl.ds(t * 16, 16)] * y
        sh = bv_v[pl.ds(t * 16, 16)] - mu * sc
        sc_v[pl.ds(t * 16, 16)] = sc
        sh_v[pl.ds(t * 16, 16)] = sh

    svj = [sc_v[pl.ds(t * 16, 16)] for t in range(4)]
    tvj = [sh_v[pl.ds(t * 16, 16)] for t in range(4)]

    mbase = wid * PPT
    arow = (wid * (PPT // 128)) // 8 * 8
    off0 = wid * (PPT // 128) - arow
    pltpu.sync_copy(dest_ref.at[pl.ds(arow, 16)], dst_v)

    def sub_b(u, _):
        roff = mbase + u * SUB
        rloc = off0 + u * 2
        g0 = pltpu.async_copy(grid_sp.at[dst_v.at[rloc]], mst_v.at[0], sem)
        g1 = pltpu.async_copy(grid_sp.at[dst_v.at[rloc + 1]], mst_v.at[1],
                              sem)
        rx = pltpu.async_copy(xmax_ref.at[pl.ds(roff, SUB)], rows_v, sem2)
        g0.wait()
        g1.wait()
        rx.wait()

        def prow(r, _):
            for t in range(4):
                x = rows_v[r, pl.ds(16 * t, 16)]
                rows_v[r, pl.ds(16 * t, 16)] = jnp.maximum(
                    x * svj[t] + tvj[t], 0.0)
            return 0

        lax.fori_loop(0, SUB, prow, 0)

        def wrow(j, _):
            def wsub(l, _):
                d = dst_v[rloc + j, pl.ds(l * 16, 16)]
                mst = mst_v[j, pl.ds(l * 16, 16)]
                mvec = roff + j * 128 + l * 16 + lane
                win = (d < NHW) & (mst == mvec)
                ridx_v[j, pl.ds(l * 16, 16)] = jnp.where(win, d, NHW)
                return 0

            lax.fori_loop(0, 8, wsub, 0)
            return 0

        lax.fori_loop(0, 2, wrow, 0)
        s0 = pltpu.async_copy(rows_v.at[pl.ds(0, 128)],
                              dense_ref.at[ridx_v.at[0]], sem)
        s1_ = pltpu.async_copy(rows_v.at[pl.ds(128, 128)],
                               dense_ref.at[ridx_v.at[1]], sem)
        s0.wait()
        s1_.wait()
        return 0

    lax.fori_loop(0, NSUBCH, sub_b, 0)


def _make_sc_kernel(interpret=False):
    mesh = plsc.VectorSubcoreMesh(core_axis_name="c", subcore_axis_name="s")
    return pl.kernel(
        _sc_body,
        out_type=(),
        mesh=mesh,
        compiler_params=pltpu.CompilerParams(needs_layout_passes=False,
                                             use_tc_tiling_on_sc=False),
        scratch_types=[
            pltpu.VMEM((REG_PAD,), jnp.int32),
            pltpu.VMEM((SUB, CF), jnp.float32),
            pltpu.VMEM((16, 128), jnp.int32),
            pltpu.VMEM((2, 128), jnp.int32),
            pltpu.VMEM((2, 128), jnp.int32),
            pltpu.VMEM((32,), jnp.int32),
            pltpu.VMEM((CF,), jnp.float32),
            pltpu.VMEM((CF,), jnp.float32),
            pltpu.VMEM((128,), jnp.float32),
            pltpu.VMEM((128,), jnp.float32),
            pltpu.VMEM((CF,), jnp.float32),
            pltpu.VMEM((CF,), jnp.float32),
            pltpu.VMEM_SHARED((NHW + 16,), jnp.int32),
            pltpu.SemaphoreType.DMA,
            pltpu.SemaphoreType.DMA,
        ],
        interpret=interpret,
    )


def _tr_body(x_ref, o_ref):
    x = x_ref[...].reshape(8, WG, CF)
    o_ref[...] = jnp.transpose(x, (2, 0, 1))[None]


def _run_tr(dense_rows, interpret=False):
    return pl.pallas_call(
        _tr_body,
        grid=(NB, HG // 8),
        in_specs=[pl.BlockSpec((8 * WG, CF), lambda b, y: (b * (HG // 8) + y,
                                                           0))],
        out_specs=pl.BlockSpec((1, CF, 8, WG), lambda b, y: (b, 0, y, 0)),
        out_shape=jax.ShapeDtypeStruct((NB, CF, HG, WG), jnp.float32),
        interpret=interpret,
    )(dense_rows)


def kernel(voxel_features, voxel_coords, voxel_num_points, record_len,
           W_pfn, bn_gamma, bn_beta):
    f32 = jnp.float32
    vft = jnp.pad(voxel_features.transpose(2, 1, 0).astype(f32),
                  ((0, 0), (0, 0), (0, MP - M)))
    cds = jnp.pad(voxel_coords.T.astype(f32), ((0, 0), (0, MP - M)))
    npf = jnp.pad(voxel_num_points.astype(f32)[None, :], ((0, 0), (0, MP - M)))
    eye = jnp.eye(KP, dtype=f32)
    wp = (W_pfn.astype(f32)[:, None, None, :] *
          eye[None, :, :, None]).reshape(10 * KP, KP * CF)

    xmax, dest, stats, dz = _run_vfe(vft, cds, npf, wp)

    dense = jax.new_ref(dz)
    _make_sc_kernel()(dense, xmax, dest.reshape(MP // 128, 128), stats,
                      bn_gamma.astype(f32), bn_beta.astype(f32))
    return _run_tr(dense[...])

# --- scband reference (transcript-rebuilt; emitter-appended) ---
"""Pipeline reference for scband-voxel-net-91225105367345 (READ-ONLY COPY).

The authoritative reference and input builder live on the scoring server;
editing this copy changes nothing except your own understanding.
"""

import jax, jax.numpy as jnp
import numpy as np

VX, VY, VZ = 0.16, 0.16, 4.0
X0, Y0, Z0 = 0.0, -39.68, -3.0
WG, HG, DG = 432, 496, 1
M, P, NB, CF = 40000, 32, 4, 64
EPS = 1e-3


def setup_inputs(seed: int = 0) -> dict:
    key = jax.random.key(seed)
    ks = jax.random.split(key, 8)
    cb = jax.random.randint(ks[0], (M,), 0, NB, dtype=jnp.int32)
    cz = jnp.zeros((M,), dtype=jnp.int32)
    cy = jax.random.randint(ks[1], (M,), 0, HG, dtype=jnp.int32)
    cx = jax.random.randint(ks[2], (M,), 0, WG, dtype=jnp.int32)
    voxel_coords = jnp.stack([cb, cz, cy, cx], axis=1)
    # points scattered near their pillar centers (realistic lidar layout)
    xc = cx.astype(jnp.float32) * VX + VX / 2 + X0
    yc = cy.astype(jnp.float32) * VY + VY / 2 + Y0
    zc = cz.astype(jnp.float32) * VZ + VZ / 2 + Z0
    noise = jax.random.normal(ks[3], (M, P, 3), dtype=jnp.float32) * 0.05
    xyz = jnp.stack([xc, yc, zc], axis=1)[:, None, :] + noise
    intensity = jax.random.uniform(ks[4], (M, P, 1), dtype=jnp.float32)
    voxel_features = jnp.concatenate([xyz, intensity], axis=-1)
    voxel_num_points = jax.random.randint(ks[5], (M,), 1, P + 1, dtype=jnp.int32)
    record_len = jnp.ones((NB,), dtype=jnp.int32)
    W_pfn = jax.random.normal(ks[6], (10, CF), dtype=jnp.float32) * 0.1
    bn_gamma = jnp.ones((CF,), dtype=jnp.float32)
    bn_beta = jnp.zeros((CF,), dtype=jnp.float32)
    return {
        'voxel_features': voxel_features,
        'voxel_coords': voxel_coords,
        'voxel_num_points': voxel_num_points,
        'record_len': record_len,
        'W_pfn': W_pfn,
        'bn_gamma': bn_gamma,
        'bn_beta': bn_beta,
    }


def _pillar_vfe(voxel_features, voxel_coords, voxel_num_points, W_pfn, bn_gamma, bn_beta):
    mask = (jnp.arange(P)[None, :] < voxel_num_points[:, None]).astype(jnp.float32)[:, :, None]
    xyz = voxel_features[..., :3]
    npts = jnp.clip(voxel_num_points, 1, None).astype(jnp.float32)[:, None, None]
    points_mean = jnp.sum(xyz * mask, axis=1, keepdims=True) / npts
    f_cluster = xyz - points_mean
    cx = voxel_coords[:, 3].astype(jnp.float32)
    cy = voxel_coords[:, 2].astype(jnp.float32)
    cz = voxel_coords[:, 1].astype(jnp.float32)
    fcx = xyz[..., 0] - (cx * VX + VX / 2 + X0)[:, None]
    fcy = xyz[..., 1] - (cy * VY + VY / 2 + Y0)[:, None]
    fcz = xyz[..., 2] - (cz * VZ + VZ / 2 + Z0)[:, None]
    f_center = jnp.stack([fcx, fcy, fcz], axis=-1)
    features = jnp.concatenate([voxel_features, f_cluster, f_center], axis=-1)
    features = features * mask
    x = features @ W_pfn  # [M, P, CF], linear without bias (use_norm=True)
    flat = x.reshape(-1, CF)
    mu = jnp.mean(flat, axis=0)
    var = jnp.var(flat, axis=0)
    x = (x - mu) / jnp.sqrt(var + EPS) * bn_gamma + bn_beta
    x = jax.nn.relu(x)
    return jnp.max(x, axis=1)  # [M, CF]


def reference(voxel_features, voxel_coords, voxel_num_points, record_len, W_pfn, bn_gamma, bn_beta):
    pillar_features = _pillar_vfe(voxel_features, voxel_coords, voxel_num_points, W_pfn, bn_gamma, bn_beta)
    N = record_len.shape[0]
    b = voxel_coords[:, 0]
    z = voxel_coords[:, 1]
    y = voxel_coords[:, 2]
    x = voxel_coords[:, 3]
    dense = jnp.zeros((CF, N, DG, HG, WG), dtype=jnp.float32)
    dense = dense.at[:, b, z, y, x].set(pillar_features.T)
    dense = jnp.transpose(dense, (1, 0, 2, 3, 4))
    return dense.reshape(N, CF * DG, HG, WG)

if __name__ == "__main__":
    import jax
    _d = setup_inputs()
    print(jax.jit(kernel)(*tuple(_d.values())))

</pallas_src>

<mosaic_0001>
#map = affine_map<(d0, d1) -> (0, 0)>
#map1 = affine_map<(d0, d1) -> (0)>
module attributes {stable_mosaic.version = 14 : i64} {
  func.func @new_body(%arg0: i32, %arg1: i32, %arg2: memref<857600x64xf32, #tpu.memory_space<hbm>>, %arg3: memref<40960x64xf32, #tpu.memory_space<hbm>>, %arg4: memref<320x128xi32, #tpu.memory_space<hbm>>, %arg5: memref<8x128xf32, #tpu.memory_space<hbm>>, %arg6: memref<64xf32, #tpu.memory_space<hbm>>, %arg7: memref<64xf32, #tpu.memory_space<hbm>>, %arg8: memref<857600x64xf32, #tpu.memory_space<hbm>>, %arg9: memref<53584xi32, #tpu.memory_space<vmem>>, %arg10: memref<256x64xf32, #tpu.memory_space<vmem>>, %arg11: memref<16x128xi32, #tpu.memory_space<vmem>>, %arg12: memref<2x128xi32, #tpu.memory_space<vmem>>, %arg13: memref<2x128xi32, #tpu.memory_space<vmem>>, %arg14: memref<32xi32, #tpu.memory_space<vmem>>, %arg15: memref<64xf32, #tpu.memory_space<vmem>>, %arg16: memref<64xf32, #tpu.memory_space<vmem>>, %arg17: memref<128xf32, #tpu.memory_space<vmem>>, %arg18: memref<128xf32, #tpu.memory_space<vmem>>, %arg19: memref<64xf32, #tpu.memory_space<vmem>>, %arg20: memref<64xf32, #tpu.memory_space<vmem>>, %arg21: memref<857104xi32, #tpu.memory_space<vmem_shared>>, %arg22: memref<!tpu.dma_semaphore, #tpu.memory_space<semaphore_mem>>, %arg23: memref<!tpu.dma_semaphore, #tpu.memory_space<semaphore_mem>>) attributes {dimension_semantics = [#tpu.dimension_semantics<core_parallel>, #tpu.dimension_semantics<subcore_parallel>], iteration_bounds = array<i64: 2, 16>, scalar_prefetch = 0 : i64, scratch_operands = 15 : i64, tpu.core_type = #tpu.core_type<sc_vector_subcore>, window_params = [{transform_indices = #map}, {transform_indices = #map}, {transform_indices = #map}, {transform_indices = #map}, {transform_indices = #map1}, {transform_indices = #map1}, {transform_indices = #map}]} {
    %mul3A = arith.constant 2 : i32
    %mul3A_0 = arith.muli %arg1, %mul3A : i32
    %add3A = arith.addi %mul3A_0, %arg0 : i32
    %iota3A = tpu.iota {dimensions = array<i32: 0>} : vector<16xi32>
    %mul3A_1 = arith.constant 53568 : i32
    %mul3A_2 = arith.muli %arg1, %mul3A_1 : i32
    %broadcast_in_dim3A = arith.constant 1073741824 : i32
    %broadcast_in_dim3A_3 = vector.broadcast %broadcast_in_dim3A : i32 to vector<16xi32>
    %swap3A = arith.constant 16 : index
    %swap3A_4 = tpu.vector_load %arg14[%swap3A] {strides = array<i32>} : memref<32xi32, #tpu.memory_space<vmem>>, vector<16xi32>,
    tpu.vector_store %arg14[%swap3A], %broadcast_in_dim3A_3 {strides = array<i32>} : memref<32xi32, #tpu.memory_space<vmem>>, vector<16xi32>,
    %scan3A = arith.constant 0 : i32
    %scan3A_5 = arith.constant 0 : i32
    %scan3A_6 = arith.constant 20 : i32
    %scan3A_7 = arith.addi %scan3A_5, %scan3A_6 : i32
    %scan3A_8 = arith.constant 1 : i32
    %scan3A_9 = scf.for %scan3A_301 = %scan3A_5 to %scan3A_7 step %scan3A_8 iter_args(%scan3A_302 = %scan3A) -> (i32)  : i32 {
      %mul3A_303 = arith.constant 16 : i32
      %mul3A_304 = arith.muli %scan3A_301, %mul3A_303 : i32
      "tpu.region"() ({
        %run_scoped3A_314 = tpu.sem_alloc : memref<!tpu.dma_semaphore, #tpu.memory_space<semaphore_mem>>
        %dma_start3A = arith.constant 0 : i32
        %dma_start3A_315 = tpu.memref_slice %arg4[%mul3A_304, %dma_start3A] : memref<320x128xi32, #tpu.memory_space<hbm>> -> memref<16x128xi32, #tpu.memory_space<hbm>>
        %dma_start3A_316 = arith.constant 0 : i32
        %dma_start3A_317 = tpu.memref_slice %arg4[%mul3A_304, %dma_start3A_316] : memref<320x128xi32, #tpu.memory_space<hbm>> -> memref<16x128xi32, #tpu.memory_space<hbm>>
        tpu.enqueue_dma source(%dma_start3A_317 : memref<16x128xi32, #tpu.memory_space<hbm>>) target(%arg11 : memref<16x128xi32, #tpu.memory_space<vmem>>) target_semaphore(%run_scoped3A_314 : memref<!tpu.dma_semaphore, #tpu.memory_space<semaphore_mem>>)
        %dma_wait3A = arith.constant 0 : i32
        %dma_wait3A_318 = tpu.memref_slice %arg4[%mul3A_304, %dma_wait3A] : memref<320x128xi32, #tpu.memory_space<hbm>> -> memref<16x128xi32, #tpu.memory_space<hbm>>
        %dma_wait3A_319 = arith.constant 0 : i32
        %dma_wait3A_320 = tpu.memref_slice %arg4[%mul3A_304, %dma_wait3A_319] : memref<320x128xi32, #tpu.memory_space<hbm>> -> memref<16x128xi32, #tpu.memory_space<hbm>>
        tpu.wait_dma2 semaphore(%run_scoped3A_314 : memref<!tpu.dma_semaphore, #tpu.memory_space<semaphore_mem>>) src(%dma_wait3A_320 : memref<16x128xi32, #tpu.memory_space<hbm>>) dst(%arg11 : memref<16x128xi32, #tpu.memory_space<vmem>>)
        tpu.yield
      }) : () -> ()
      %scan3A_305 = arith.constant 0 : i32
      %scan3A_306 = arith.constant 0 : i32
      %scan3A_307 = arith.constant 16 : i32
      %scan3A_308 = arith.addi %scan3A_306, %scan3A_307 : i32
      %scan3A_309 = arith.constant 1 : i32
      %scan3A_310 = scf.for %scan3A_314 = %scan3A_306 to %scan3A_308 step %scan3A_309 iter_args(%scan3A_315 = %scan3A_305) -> (i32)  : i32 {
        %scan3A_316 = arith.constant 0 : i32
        %scan3A_317 = arith.constant 0 : i32
        %scan3A_318 = arith.constant 8 : i32
        %scan3A_319 = arith.addi %scan3A_317, %scan3A_318 : i32
        %scan3A_320 = arith.constant 1 : i32
        %scan3A_321 = scf.for %scan3A_324 = %scan3A_317 to %scan3A_319 step %scan3A_320 iter_args(%scan3A_325 = %scan3A_316) -> (i32)  : i32 {
          %mul3A_326 = arith.constant 16 : i32
          %mul3A_327 = arith.muli %scan3A_324, %mul3A_326 : i32
          %get3A_328 = arith.index_cast %scan3A_314 : i32 to index
          %get3A_329 = arith.index_cast %mul3A_327 : i32 to index
          %get3A_330 = tpu.vector_load %arg11[%get3A_328, %get3A_329] {strides = array<i32>} : memref<16x128xi32, #tpu.memory_space<vmem>>, vector<16xi32>,
          %mul3A_331 = arith.constant 2048 : i32
          %mul3A_332 = arith.muli %scan3A_301, %mul3A_331 : i32
          %mul3A_333 = arith.constant 128 : i32
          %mul3A_334 = arith.muli %scan3A_314, %mul3A_333 : i32
          %add3A_335 = arith.addi %mul3A_332, %mul3A_334 : i32
          %mul3A_336 = arith.constant 16 : i32
          %mul3A_337 = arith.muli %scan3A_324, %mul3A_336 : i32
          %add3A_338 = arith.addi %add3A_335, %mul3A_337 : i32
          %add3A_339 = vector.broadcast %add3A_338 : i32 to vector<16xi32>
          %add3A_340 = arith.addi %add3A_339, %iota3A : vector<16xi32>
          %sub3A_341 = vector.broadcast %mul3A_2 : i32 to vector<16xi32>
          %sub3A_342 = arith.subi %get3A_330, %sub3A_341 : vector<16xi32>
          %ge3A = arith.constant 0 : i32
          %ge3A_343 = vector.broadcast %ge3A : i32 to vector<16xi32>
          %ge3A_344 = arith.cmpi sge, %sub3A_342, %ge3A_343 : vector<16xi32>
          %lt3A = arith.constant 53568 : i32
          %lt3A_345 = vector.broadcast %lt3A : i32 to vector<16xi32>
          %lt3A_346 = arith.cmpi slt, %sub3A_342, %lt3A_345 : vector<16xi32>
          %and3A_347 = arith.andi %ge3A_344, %lt3A_346 : vector<16xi1>
          %jit3A_348 = arith.constant 53568 : i32
          %broadcast_in_dim3A_349 = vector.broadcast %jit3A_348 : i32 to vector<16xi32>
          %select_n3A_350 = arith.select %and3A_347, %sub3A_342, %broadcast_in_dim3A_349 : vector<16xi1>, vector<16xi32>
          %shift_left3A = arith.constant 4 : i32
          %shift_left3A_351 = vector.broadcast %shift_left3A : i32 to vector<16xi32>
          %shift_left3A_352 = arith.shli %select_n3A_350, %shift_left3A_351 : vector<16xi32>
          %or3A = arith.ori %shift_left3A_352, %iota3A : vector<16xi32>
          %masked_sort3A = arith.constant dense<true> : vector<16xi1>
          %masked_sort3A_353 = arith.constant -2147483648 : i32
          %masked_sort3A_354 = vector.broadcast %masked_sort3A_353 : i32 to vector<16xi32>
          %masked_sort3A_355 = arith.xori %or3A, %masked_sort3A_354 : vector<16xi32>
          %masked_sort3A_356, %masked_sort3A_357, %masked_sort3A_358 = tpu.sort %masked_sort3A_355, %add3A_340 masked %masked_sort3A : (vector<16xi32>, vector<16xi32>, vector<16xi1>) -> (vector<16xi1>, vector<16xi32>, vector<16xi32>)
          %masked_sort3A_359 = arith.xori %masked_sort3A_357, %masked_sort3A_354 : vector<16xi32>
          %swap3A_360 = arith.constant 0 : index
          %swap3A_361 = tpu.vector_load %arg14[%swap3A_360] {strides = array<i32>} : memref<32xi32, #tpu.memory_space<vmem>>, vector<16xi32>,
          tpu.vector_store %arg14[%swap3A_360], %masked_sort3A_359 {strides = array<i32>} : memref<32xi32, #tpu.memory_space<vmem>>, vector<16xi32>,
          %add3A_362 = arith.constant 1 : i32
          %add3A_363 = vector.broadcast %add3A_362 : i32 to vector<16xi32>
          %add3A_364 = arith.addi %iota3A, %add3A_363 : vector<16xi32>
          %gather3A = tpu.vector_load_idx %arg14[%add3A_364] : memref<32xi32, #tpu.memory_space<vmem>>[vector<16xi32>], vector<16xi32>,
          %shift_right_arithmetic3A_365 = arith.constant 4 : i32
          %shift_right_arithmetic3A_366 = vector.broadcast %shift_right_arithmetic3A_365 : i32 to vector<16xi32>
          %shift_right_arithmetic3A_367 = arith.shrsi %masked_sort3A_359, %shift_right_arithmetic3A_366 : vector<16xi32>
          %shift_right_arithmetic3A_368 = arith.constant 4 : i32
          %shift_right_arithmetic3A_369 = vector.broadcast %shift_right_arithmetic3A_368 : i32 to vector<16xi32>
          %shift_right_arithmetic3A_370 = arith.shrsi %gather3A, %shift_right_arithmetic3A_369 : vector<16xi32>
          %ne3A_371 = arith.cmpi ne, %shift_right_arithmetic3A_367, %shift_right_arithmetic3A_370 : vector<16xi32>
          %eq3A = arith.constant 15 : i32
          %eq3A_372 = vector.broadcast %eq3A : i32 to vector<16xi32>
          %eq3A_373 = arith.cmpi eq, %iota3A, %eq3A_372 : vector<16xi32>
          %or3A_374 = arith.ori %ne3A_371, %eq3A_373 : vector<16xi1>
          %lt3A_375 = arith.constant 53568 : i32
          %lt3A_376 = vector.broadcast %lt3A_375 : i32 to vector<16xi32>
          %lt3A_377 = arith.cmpi slt, %shift_right_arithmetic3A_367, %lt3A_376 : vector<16xi32>
          %and3A_378 = arith.andi %or3A_374, %lt3A_377 : vector<16xi1>
          tpu.vector_store_idx %arg9[%shift_right_arithmetic3A_367], %masked_sort3A_358 masked %and3A_378 : memref<53584xi32, #tpu.memory_space<vmem>>[vector<16xi32>], vector<16xi32>, vector<16xi1>
          %scan3A_379 = arith.constant 0 : i32
          scf.yield %scan3A_379 : i32
        }
        %scan3A_322 = arith.constant 8 : i32
        %scan3A_323 = arith.constant 0 : i32
        scf.yield %scan3A_323 : i32
      }
      %scan3A_311 = arith.constant 16 : i32
      %barrier3A_312 = arith.constant 0 : index
      tpu.barrier barrier_id(%barrier3A_312)
      %scan3A_313 = arith.constant 0 : i32
      scf.yield %scan3A_313 : i32
    }
    %scan3A_10 = arith.constant 20 : i32
    "tpu.region"() ({
      %run_scoped3A_301 = tpu.sem_alloc : memref<!tpu.dma_semaphore, #tpu.memory_space<semaphore_mem>>
      %dma_start3A = arith.constant 0 : i32
      %dma_start3A_302 = tpu.memref_slice %arg9[%dma_start3A] : memref<53584xi32, #tpu.memory_space<vmem>> -> memref<53568xi32, #tpu.memory_space<vmem>>
      %dma_start3A_303 = tpu.memref_slice %arg21[%mul3A_2] : memref<857104xi32, #tpu.memory_space<vmem_shared>> -> memref<53568xi32, #tpu.memory_space<vmem_shared>>
      %dma_start3A_304 = tpu.memref_slice %arg21[%mul3A_2] : memref<857104xi32, #tpu.memory_space<vmem_shared>> -> memref<53568xi32, #tpu.memory_space<vmem_shared>>
      %dma_start3A_305 = arith.constant 0 : i32
      %dma_start3A_306 = tpu.memref_slice %arg9[%dma_start3A_305] : memref<53584xi32, #tpu.memory_space<vmem>> -> memref<53568xi32, #tpu.memory_space<vmem>>
      tpu.enqueue_dma source(%dma_start3A_306 : memref<53568xi32, #tpu.memory_space<vmem>>) target(%dma_start3A_304 : memref<53568xi32, #tpu.memory_space<vmem_shared>>) target_semaphore(%run_scoped3A_301 : memref<!tpu.dma_semaphore, #tpu.memory_space<semaphore_mem>>)
      %dma_wait3A = arith.constant 0 : i32
      %dma_wait3A_307 = tpu.memref_slice %arg9[%dma_wait3A] : memref<53584xi32, #tpu.memory_space<vmem>> -> memref<53568xi32, #tpu.memory_space<vmem>>
      %dma_wait3A_308 = tpu.memref_slice %arg21[%mul3A_2] : memref<857104xi32, #tpu.memory_space<vmem_shared>> -> memref<53568xi32, #tpu.memory_space<vmem_shared>>
      %dma_wait3A_309 = tpu.memref_slice %arg21[%mul3A_2] : memref<857104xi32, #tpu.memory_space<vmem_shared>> -> memref<53568xi32, #tpu.memory_space<vmem_shared>>
      %dma_wait3A_310 = arith.constant 0 : i32
      %dma_wait3A_311 = tpu.memref_slice %arg9[%dma_wait3A_310] : memref<53584xi32, #tpu.memory_space<vmem>> -> memref<53568xi32, #tpu.memory_space<vmem>>
      tpu.wait_dma2 semaphore(%run_scoped3A_301 : memref<!tpu.dma_semaphore, #tpu.memory_space<semaphore_mem>>) src(%dma_wait3A_311 : memref<53568xi32, #tpu.memory_space<vmem>>) dst(%dma_wait3A_309 : memref<53568xi32, #tpu.memory_space<vmem_shared>>)
      tpu.yield
    }) : () -> ()
    %barrier3A = arith.constant 0 : index
    tpu.barrier barrier_id(%barrier3A)
    %run_scoped3A = arith.constant 0 : i32
    "tpu.region"() ({
      %run_scoped3A_301 = tpu.sem_alloc : memref<!tpu.dma_semaphore, #tpu.memory_space<semaphore_mem>>
      %dma_start3A = arith.constant 0 : i32
      %dma_start3A_302 = tpu.memref_slice %arg5[%run_scoped3A, %dma_start3A] : memref<8x128xf32, #tpu.memory_space<hbm>> -> memref<1x128xf32, #tpu.memory_space<hbm>>
      %dma_start3A_303 = tpu.memref_squeeze %dma_start3A_302 : memref<1x128xf32, #tpu.memory_space<hbm>> -> memref<128xf32, #tpu.memory_space<hbm>>
      %dma_start3A_304 = arith.constant 0 : i32
      %dma_start3A_305 = tpu.memref_slice %arg5[%run_scoped3A, %dma_start3A_304] : memref<8x128xf32, #tpu.memory_space<hbm>> -> memref<1x128xf32, #tpu.memory_space<hbm>>
      %dma_start3A_306 = tpu.memref_squeeze %dma_start3A_305 : memref<1x128xf32, #tpu.memory_space<hbm>> -> memref<128xf32, #tpu.memory_space<hbm>>
      tpu.enqueue_dma source(%dma_start3A_306 : memref<128xf32, #tpu.memory_space<hbm>>) target(%arg17 : memref<128xf32, #tpu.memory_space<vmem>>) target_semaphore(%run_scoped3A_301 : memref<!tpu.dma_semaphore, #tpu.memory_space<semaphore_mem>>)
      %dma_wait3A = arith.constant 0 : i32
      %dma_wait3A_307 = tpu.memref_slice %arg5[%run_scoped3A, %dma_wait3A] : memref<8x128xf32, #tpu.memory_space<hbm>> -> memref<1x128xf32, #tpu.memory_space<hbm>>
      %dma_wait3A_308 = tpu.memref_squeeze %dma_wait3A_307 : memref<1x128xf32, #tpu.memory_space<hbm>> -> memref<128xf32, #tpu.memory_space<hbm>>
      %dma_wait3A_309 = arith.constant 0 : i32
      %dma_wait3A_310 = tpu.memref_slice %arg5[%run_scoped3A, %dma_wait3A_309] : memref<8x128xf32, #tpu.memory_space<hbm>> -> memref<1x128xf32, #tpu.memory_space<hbm>>
      %dma_wait3A_311 = tpu.memref_squeeze %dma_wait3A_310 : memref<1x128xf32, #tpu.memory_space<hbm>> -> memref<128xf32, #tpu.memory_space<hbm>>
      tpu.wait_dma2 semaphore(%run_scoped3A_301 : memref<!tpu.dma_semaphore, #tpu.memory_space<semaphore_mem>>) src(%dma_wait3A_311 : memref<128xf32, #tpu.memory_space<hbm>>) dst(%arg17 : memref<128xf32, #tpu.memory_space<vmem>>)
      tpu.yield
    }) : () -> ()
    %run_scoped3A_11 = arith.constant 1 : i32
    "tpu.region"() ({
      %run_scoped3A_301 = tpu.sem_alloc : memref<!tpu.dma_semaphore, #tpu.memory_space<semaphore_mem>>
      %dma_start3A = arith.constant 0 : i32
      %dma_start3A_302 = tpu.memref_slice %arg5[%run_scoped3A_11, %dma_start3A] : memref<8x128xf32, #tpu.memory_space<hbm>> -> memref<1x128xf32, #tpu.memory_space<hbm>>
      %dma_start3A_303 = tpu.memref_squeeze %dma_start3A_302 : memref<1x128xf32, #tpu.memory_space<hbm>> -> memref<128xf32, #tpu.memory_space<hbm>>
      %dma_start3A_304 = arith.constant 0 : i32
      %dma_start3A_305 = tpu.memref_slice %arg5[%run_scoped3A_11, %dma_start3A_304] : memref<8x128xf32, #tpu.memory_space<hbm>> -> memref<1x128xf32, #tpu.memory_space<hbm>>
      %dma_start3A_306 = tpu.memref_squeeze %dma_start3A_305 : memref<1x128xf32, #tpu.memory_space<hbm>> -> memref<128xf32, #tpu.memory_space<hbm>>
      tpu.enqueue_dma source(%dma_start3A_306 : memref<128xf32, #tpu.memory_space<hbm>>) target(%arg18 : memref<128xf32, #tpu.memory_space<vmem>>) target_semaphore(%run_scoped3A_301 : memref<!tpu.dma_semaphore, #tpu.memory_space<semaphore_mem>>)
      %dma_wait3A = arith.constant 0 : i32
      %dma_wait3A_307 = tpu.memref_slice %arg5[%run_scoped3A_11, %dma_wait3A] : memref<8x128xf32, #tpu.memory_space<hbm>> -> memref<1x128xf32, #tpu.memory_space<hbm>>
      %dma_wait3A_308 = tpu.memref_squeeze %dma_wait3A_307 : memref<1x128xf32, #tpu.memory_space<hbm>> -> memref<128xf32, #tpu.memory_space<hbm>>
      %dma_wait3A_309 = arith.constant 0 : i32
      %dma_wait3A_310 = tpu.memref_slice %arg5[%run_scoped3A_11, %dma_wait3A_309] : memref<8x128xf32, #tpu.memory_space<hbm>> -> memref<1x128xf32, #tpu.memory_space<hbm>>
      %dma_wait3A_311 = tpu.memref_squeeze %dma_wait3A_310 : memref<1x128xf32, #tpu.memory_space<hbm>> -> memref<128xf32, #tpu.memory_space<hbm>>
      tpu.wait_dma2 semaphore(%run_scoped3A_301 : memref<!tpu.dma_semaphore, #tpu.memory_space<semaphore_mem>>) src(%dma_wait3A_311 : memref<128xf32, #tpu.memory_space<hbm>>) dst(%arg18 : memref<128xf32, #tpu.memory_space<vmem>>)
      tpu.yield
    }) : () -> ()
    "tpu.region"() ({
      %run_scoped3A_301 = tpu.sem_alloc : memref<!tpu.dma_semaphore, #tpu.memory_space<semaphore_mem>>
      tpu.enqueue_dma source(%arg6 : memref<64xf32, #tpu.memory_space<hbm>>) target(%arg19 : memref<64xf32, #tpu.memory_space<vmem>>) target_semaphore(%run_scoped3A_301 : memref<!tpu.dma_semaphore, #tpu.memory_space<semaphore_mem>>)
      tpu.wait_dma2 semaphore(%run_scoped3A_301 : memref<!tpu.dma_semaphore, #tpu.memory_space<semaphore_mem>>) src(%arg6 : memref<64xf32, #tpu.memory_space<hbm>>) dst(%arg19 : memref<64xf32, #tpu.memory_space<vmem>>)
      tpu.yield
    }) : () -> ()
    "tpu.region"() ({
      %run_scoped3A_301 = tpu.sem_alloc : memref<!tpu.dma_semaphore, #tpu.memory_space<semaphore_mem>>
      tpu.enqueue_dma source(%arg7 : memref<64xf32, #tpu.memory_space<hbm>>) target(%arg20 : memref<64xf32, #tpu.memory_space<vmem>>) target_semaphore(%run_scoped3A_301 : memref<!tpu.dma_semaphore, #tpu.memory_space<semaphore_mem>>)
      tpu.wait_dma2 semaphore(%run_scoped3A_301 : memref<!tpu.dma_semaphore, #tpu.memory_space<semaphore_mem>>) src(%arg7 : memref<64xf32, #tpu.memory_space<hbm>>) dst(%arg20 : memref<64xf32, #tpu.memory_space<vmem>>)
      tpu.yield
    }) : () -> ()
    %get3A = arith.constant 0 : index
    %get3A_12 = tpu.vector_load %arg17[%get3A] {strides = array<i32>} : memref<128xf32, #tpu.memory_space<vmem>>, vector<16xf32>,
    %get3A_13 = arith.constant 0 : index
    %get3A_14 = tpu.vector_load %arg18[%get3A_13] {strides = array<i32>} : memref<128xf32, #tpu.memory_space<vmem>>, vector<16xf32>,
    %mul3A_15 = arith.constant 7.812500e-07 : f32
    %mul3A_16 = vector.broadcast %mul3A_15 : f32 to vector<16xf32>
    %mul3A_17 = arith.mulf %get3A_12, %mul3A_16 : vector<16xf32>
    %mul3A_18 = arith.constant 7.812500e-07 : f32
    %mul3A_19 = vector.broadcast %mul3A_18 : f32 to vector<16xf32>
    %mul3A_20 = arith.mulf %get3A_14, %mul3A_19 : vector<16xf32>
    %mul3A_21 = arith.mulf %mul3A_17, %mul3A_17 : vector<16xf32>
    %sub3A = arith.subf %mul3A_20, %mul3A_21 : vector<16xf32>
    %add3A_22 = arith.constant 1.000000e-03 : f32
    %add3A_23 = vector.broadcast %add3A_22 : f32 to vector<16xf32>
    %add3A_24 = arith.addf %sub3A, %add3A_23 : vector<16xf32>
    %bitcast3A = vector.bitcast %add3A_24 : vector<16xf32> to vector<16xi32>
    %shift_right_arithmetic3A = arith.constant 1 : i32
    %shift_right_arithmetic3A_25 = vector.broadcast %shift_right_arithmetic3A : i32 to vector<16xi32>
    %shift_right_arithmetic3A_26 = arith.shrsi %bitcast3A, %shift_right_arithmetic3A_25 : vector<16xi32>
    %sub3A_27 = arith.constant 1597463007 : i32
    %sub3A_28 = vector.broadcast %sub3A_27 : i32 to vector<16xi32>
    %sub3A_29 = arith.subi %sub3A_28, %shift_right_arithmetic3A_26 : vector<16xi32>
    %bitcast3A_30 = vector.bitcast %sub3A_29 : vector<16xi32> to vector<16xf32>
    %mul3A_31 = arith.constant 5.000000e-01 : f32
    %mul3A_32 = vector.broadcast %mul3A_31 : f32 to vector<16xf32>
    %mul3A_33 = arith.mulf %mul3A_32, %add3A_24 : vector<16xf32>
    %mul3A_34 = arith.mulf %mul3A_33, %bitcast3A_30 : vector<16xf32>
    %mul3A_35 = arith.mulf %mul3A_34, %bitcast3A_30 : vector<16xf32>
    %sub3A_36 = arith.constant 1.500000e+00 : f32
    %sub3A_37 = vector.broadcast %sub3A_36 : f32 to vector<16xf32>
    %sub3A_38 = arith.subf %sub3A_37, %mul3A_35 : vector<16xf32>
    %mul3A_39 = arith.mulf %bitcast3A_30, %sub3A_38 : vector<16xf32>
    %mul3A_40 = arith.constant 5.000000e-01 : f32
    %mul3A_41 = vector.broadcast %mul3A_40 : f32 to vector<16xf32>
    %mul3A_42 = arith.mulf %mul3A_41, %add3A_24 : vector<16xf32>
    %mul3A_43 = arith.mulf %mul3A_42, %mul3A_39 : vector<16xf32>
    %mul3A_44 = arith.mulf %mul3A_43, %mul3A_39 : vector<16xf32>
    %sub3A_45 = arith.constant 1.500000e+00 : f32
    %sub3A_46 = vector.broadcast %sub3A_45 : f32 to vector<16xf32>
    %sub3A_47 = arith.subf %sub3A_46, %mul3A_44 : vector<16xf32>
    %mul3A_48 = arith.mulf %mul3A_39, %sub3A_47 : vector<16xf32>
    %mul3A_49 = arith.constant 5.000000e-01 : f32
    %mul3A_50 = vector.broadcast %mul3A_49 : f32 to vector<16xf32>
    %mul3A_51 = arith.mulf %mul3A_50, %add3A_24 : vector<16xf32>
    %mul3A_52 = arith.mulf %mul3A_51, %mul3A_48 : vector<16xf32>
    %mul3A_53 = arith.mulf %mul3A_52, %mul3A_48 : vector<16xf32>
    %sub3A_54 = arith.constant 1.500000e+00 : f32
    %sub3A_55 = vector.broadcast %sub3A_54 : f32 to vector<16xf32>
    %sub3A_56 = arith.subf %sub3A_55, %mul3A_53 : vector<16xf32>
    %mul3A_57 = arith.mulf %mul3A_48, %sub3A_56 : vector<16xf32>
    %get3A_58 = arith.constant 0 : index
    %get3A_59 = tpu.vector_load %arg19[%get3A_58] {strides = array<i32>} : memref<64xf32, #tpu.memory_space<vmem>>, vector<16xf32>,
    %mul3A_60 = arith.mulf %get3A_59, %mul3A_57 : vector<16xf32>
    %get3A_61 = arith.constant 0 : index
    %get3A_62 = tpu.vector_load %arg20[%get3A_61] {strides = array<i32>} : memref<64xf32, #tpu.memory_space<vmem>>, vector<16xf32>,
    %mul3A_63 = arith.mulf %mul3A_17, %mul3A_60 : vector<16xf32>
    %sub3A_64 = arith.subf %get3A_62, %mul3A_63 : vector<16xf32>
    %swap3A_65 = arith.constant 0 : index
    %swap3A_66 = tpu.vector_load %arg15[%swap3A_65] {strides = array<i32>} : memref<64xf32, #tpu.memory_space<vmem>>, vector<16xf32>,
    tpu.vector_store %arg15[%swap3A_65], %mul3A_60 {strides = array<i32>} : memref<64xf32, #tpu.memory_space<vmem>>, vector<16xf32>,
    %swap3A_67 = arith.constant 0 : index
    %swap3A_68 = tpu.vector_load %arg16[%swap3A_67] {strides = array<i32>} : memref<64xf32, #tpu.memory_space<vmem>>, vector<16xf32>,
    tpu.vector_store %arg16[%swap3A_67], %sub3A_64 {strides = array<i32>} : memref<64xf32, #tpu.memory_space<vmem>>, vector<16xf32>,
    %get3A_69 = arith.constant 16 : index
    %get3A_70 = tpu.vector_load %arg17[%get3A_69] {strides = array<i32>} : memref<128xf32, #tpu.memory_space<vmem>>, vector<16xf32>,
    %get3A_71 = arith.constant 16 : index
    %get3A_72 = tpu.vector_load %arg18[%get3A_71] {strides = array<i32>} : memref<128xf32, #tpu.memory_space<vmem>>, vector<16xf32>,
    %mul3A_73 = arith.constant 7.812500e-07 : f32
    %mul3A_74 = vector.broadcast %mul3A_73 : f32 to vector<16xf32>
    %mul3A_75 = arith.mulf %get3A_70, %mul3A_74 : vector<16xf32>
    %mul3A_76 = arith.constant 7.812500e-07 : f32
    %mul3A_77 = vector.broadcast %mul3A_76 : f32 to vector<16xf32>
    %mul3A_78 = arith.mulf %get3A_72, %mul3A_77 : vector<16xf32>
    %mul3A_79 = arith.mulf %mul3A_75, %mul3A_75 : vector<16xf32>
    %sub3A_80 = arith.subf %mul3A_78, %mul3A_79 : vector<16xf32>
    %add3A_81 = arith.constant 1.000000e-03 : f32
    %add3A_82 = vector.broadcast %add3A_81 : f32 to vector<16xf32>
    %add3A_83 = arith.addf %sub3A_80, %add3A_82 : vector<16xf32>
    %bitcast3A_84 = vector.bitcast %add3A_83 : vector<16xf32> to vector<16xi32>
    %shift_right_arithmetic3A_85 = arith.constant 1 : i32
    %shift_right_arithmetic3A_86 = vector.broadcast %shift_right_arithmetic3A_85 : i32 to vector<16xi32>
    %shift_right_arithmetic3A_87 = arith.shrsi %bitcast3A_84, %shift_right_arithmetic3A_86 : vector<16xi32>
    %sub3A_88 = arith.constant 1597463007 : i32
    %sub3A_89 = vector.broadcast %sub3A_88 : i32 to vector<16xi32>
    %sub3A_90 = arith.subi %sub3A_89, %shift_right_arithmetic3A_87 : vector<16xi32>
    %bitcast3A_91 = vector.bitcast %sub3A_90 : vector<16xi32> to vector<16xf32>
    %mul3A_92 = arith.constant 5.000000e-01 : f32
    %mul3A_93 = vector.broadcast %mul3A_92 : f32 to vector<16xf32>
    %mul3A_94 = arith.mulf %mul3A_93, %add3A_83 : vector<16xf32>
    %mul3A_95 = arith.mulf %mul3A_94, %bitcast3A_91 : vector<16xf32>
    %mul3A_96 = arith.mulf %mul3A_95, %bitcast3A_91 : vector<16xf32>
    %sub3A_97 = arith.constant 1.500000e+00 : f32
    %sub3A_98 = vector.broadcast %sub3A_97 : f32 to vector<16xf32>
    %sub3A_99 = arith.subf %sub3A_98, %mul3A_96 : vector<16xf32>
    %mul3A_100 = arith.mulf %bitcast3A_91, %sub3A_99 : vector<16xf32>
    %mul3A_101 = arith.constant 5.000000e-01 : f32
    %mul3A_102 = vector.broadcast %mul3A_101 : f32 to vector<16xf32>
    %mul3A_103 = arith.mulf %mul3A_102, %add3A_83 : vector<16xf32>
    %mul3A_104 = arith.mulf %mul3A_103, %mul3A_100 : vector<16xf32>
    %mul3A_105 = arith.mulf %mul3A_104, %mul3A_100 : vector<16xf32>
    %sub3A_106 = arith.constant 1.500000e+00 : f32
    %sub3A_107 = vector.broadcast %sub3A_106 : f32 to vector<16xf32>
    %sub3A_108 = arith.subf %sub3A_107, %mul3A_105 : vector<16xf32>
    %mul3A_109 = arith.mulf %mul3A_100, %sub3A_108 : vector<16xf32>
    %mul3A_110 = arith.constant 5.000000e-01 : f32
    %mul3A_111 = vector.broadcast %mul3A_110 : f32 to vector<16xf32>
    %mul3A_112 = arith.mulf %mul3A_111, %add3A_83 : vector<16xf32>
    %mul3A_113 = arith.mulf %mul3A_112, %mul3A_109 : vector<16xf32>
    %mul3A_114 = arith.mulf %mul3A_113, %mul3A_109 : vector<16xf32>
    %sub3A_115 = arith.constant 1.500000e+00 : f32
    %sub3A_116 = vector.broadcast %sub3A_115 : f32 to vector<16xf32>
    %sub3A_117 = arith.subf %sub3A_116, %mul3A_114 : vector<16xf32>
    %mul3A_118 = arith.mulf %mul3A_109, %sub3A_117 : vector<16xf32>
    %get3A_119 = arith.constant 16 : index
    %get3A_120 = tpu.vector_load %arg19[%get3A_119] {strides = array<i32>} : memref<64xf32, #tpu.memory_space<vmem>>, vector<16xf32>,
    %mul3A_121 = arith.mulf %get3A_120, %mul3A_118 : vector<16xf32>
    %get3A_122 = arith.constant 16 : index
    %get3A_123 = tpu.vector_load %arg20[%get3A_122] {strides = array<i32>} : memref<64xf32, #tpu.memory_space<vmem>>, vector<16xf32>,
    %mul3A_124 = arith.mulf %mul3A_75, %mul3A_121 : vector<16xf32>
    %sub3A_125 = arith.subf %get3A_123, %mul3A_124 : vector<16xf32>
    %swap3A_126 = arith.constant 16 : index
    %swap3A_127 = tpu.vector_load %arg15[%swap3A_126] {strides = array<i32>} : memref<64xf32, #tpu.memory_space<vmem>>, vector<16xf32>,
    tpu.vector_store %arg15[%swap3A_126], %mul3A_121 {strides = array<i32>} : memref<64xf32, #tpu.memory_space<vmem>>, vector<16xf32>,
    %swap3A_128 = arith.constant 16 : index
    %swap3A_129 = tpu.vector_load %arg16[%swap3A_128] {strides = array<i32>} : memref<64xf32, #tpu.memory_space<vmem>>, vector<16xf32>,
    tpu.vector_store %arg16[%swap3A_128], %sub3A_125 {strides = array<i32>} : memref<64xf32, #tpu.memory_space<vmem>>, vector<16xf32>,
    %get3A_130 = arith.constant 32 : index
    %get3A_131 = tpu.vector_load %arg17[%get3A_130] {strides = array<i32>} : memref<128xf32, #tpu.memory_space<vmem>>, vector<16xf32>,
    %get3A_132 = arith.constant 32 : index
    %get3A_133 = tpu.vector_load %arg18[%get3A_132] {strides = array<i32>} : memref<128xf32, #tpu.memory_space<vmem>>, vector<16xf32>,
    %mul3A_134 = arith.constant 7.812500e-07 : f32
    %mul3A_135 = vector.broadcast %mul3A_134 : f32 to vector<16xf32>
    %mul3A_136 = arith.mulf %get3A_131, %mul3A_135 : vector<16xf32>
    %mul3A_137 = arith.constant 7.812500e-07 : f32
    %mul3A_138 = vector.broadcast %mul3A_137 : f32 to vector<16xf32>
    %mul3A_139 = arith.mulf %get3A_133, %mul3A_138 : vector<16xf32>
    %mul3A_140 = arith.mulf %mul3A_136, %mul3A_136 : vector<16xf32>
    %sub3A_141 = arith.subf %mul3A_139, %mul3A_140 : vector<16xf32>
    %add3A_142 = arith.constant 1.000000e-03 : f32
    %add3A_143 = vector.broadcast %add3A_142 : f32 to vector<16xf32>
    %add3A_144 = arith.addf %sub3A_141, %add3A_143 : vector<16xf32>
    %bitcast3A_145 = vector.bitcast %add3A_144 : vector<16xf32> to vector<16xi32>
    %shift_right_arithmetic3A_146 = arith.constant 1 : i32
    %shift_right_arithmetic3A_147 = vector.broadcast %shift_right_arithmetic3A_146 : i32 to vector<16xi32>
    %shift_right_arithmetic3A_148 = arith.shrsi %bitcast3A_145, %shift_right_arithmetic3A_147 : vector<16xi32>
    %sub3A_149 = arith.constant 1597463007 : i32
    %sub3A_150 = vector.broadcast %sub3A_149 : i32 to vector<16xi32>
    %sub3A_151 = arith.subi %sub3A_150, %shift_right_arithmetic3A_148 : vector<16xi32>
    %bitcast3A_152 = vector.bitcast %sub3A_151 : vector<16xi32> to vector<16xf32>
    %mul3A_153 = arith.constant 5.000000e-01 : f32
    %mul3A_154 = vector.broadcast %mul3A_153 : f32 to vector<16xf32>
    %mul3A_155 = arith.mulf %mul3A_154, %add3A_144 : vector<16xf32>
    %mul3A_156 = arith.mulf %mul3A_155, %bitcast3A_152 : vector<16xf32>
    %mul3A_157 = arith.mulf %mul3A_156, %bitcast3A_152 : vector<16xf32>
    %sub3A_158 = arith.constant 1.500000e+00 : f32
    %sub3A_159 = vector.broadcast %sub3A_158 : f32 to vector<16xf32>
    %sub3A_160 = arith.subf %sub3A_159, %mul3A_157 : vector<16xf32>
    %mul3A_161 = arith.mulf %bitcast3A_152, %sub3A_160 : vector<16xf32>
    %mul3A_162 = arith.constant 5.000000e-01 : f32
    %mul3A_163 = vector.broadcast %mul3A_162 : f32 to vector<16xf32>
    %mul3A_164 = arith.mulf %mul3A_163, %add3A_144 : vector<16xf32>
    %mul3A_165 = arith.mulf %mul3A_164, %mul3A_161 : vector<16xf32>
    %mul3A_166 = arith.mulf %mul3A_165, %mul3A_161 : vector<16xf32>
    %sub3A_167 = arith.constant 1.500000e+00 : f32
    %sub3A_168 = vector.broadcast %sub3A_167 : f32 to vector<16xf32>
    %sub3A_169 = arith.subf %sub3A_168, %mul3A_166 : vector<16xf32>
    %mul3A_170 = arith.mulf %mul3A_161, %sub3A_169 : vector<16xf32>
    %mul3A_171 = arith.constant 5.000000e-01 : f32
    %mul3A_172 = vector.broadcast %mul3A_171 : f32 to vector<16xf32>
    %mul3A_173 = arith.mulf %mul3A_172, %add3A_144 : vector<16xf32>
    %mul3A_174 = arith.mulf %mul3A_173, %mul3A_170 : vector<16xf32>
    %mul3A_175 = arith.mulf %mul3A_174, %mul3A_170 : vector<16xf32>
    %sub3A_176 = arith.constant 1.500000e+00 : f32
    %sub3A_177 = vector.broadcast %sub3A_176 : f32 to vector<16xf32>
    %sub3A_178 = arith.subf %sub3A_177, %mul3A_175 : vector<16xf32>
    %mul3A_179 = arith.mulf %mul3A_170, %sub3A_178 : vector<16xf32>
    %get3A_180 = arith.constant 32 : index
    %get3A_181 = tpu.vector_load %arg19[%get3A_180] {strides = array<i32>} : memref<64xf32, #tpu.memory_space<vmem>>, vector<16xf32>,
    %mul3A_182 = arith.mulf %get3A_181, %mul3A_179 : vector<16xf32>
    %get3A_183 = arith.constant 32 : index
    %get3A_184 = tpu.vector_load %arg20[%get3A_183] {strides = array<i32>} : memref<64xf32, #tpu.memory_space<vmem>>, vector<16xf32>,
    %mul3A_185 = arith.mulf %mul3A_136, %mul3A_182 : vector<16xf32>
    %sub3A_186 = arith.subf %get3A_184, %mul3A_185 : vector<16xf32>
    %swap3A_187 = arith.constant 32 : index
    %swap3A_188 = tpu.vector_load %arg15[%swap3A_187] {strides = array<i32>} : memref<64xf32, #tpu.memory_space<vmem>>, vector<16xf32>,
    tpu.vector_store %arg15[%swap3A_187], %mul3A_182 {strides = array<i32>} : memref<64xf32, #tpu.memory_space<vmem>>, vector<16xf32>,
    %swap3A_189 = arith.constant 32 : index
    %swap3A_190 = tpu.vector_load %arg16[%swap3A_189] {strides = array<i32>} : memref<64xf32, #tpu.memory_space<vmem>>, vector<16xf32>,
    tpu.vector_store %arg16[%swap3A_189], %sub3A_186 {strides = array<i32>} : memref<64xf32, #tpu.memory_space<vmem>>, vector<16xf32>,
    %get3A_191 = arith.constant 48 : index
    %get3A_192 = tpu.vector_load %arg17[%get3A_191] {strides = array<i32>} : memref<128xf32, #tpu.memory_space<vmem>>, vector<16xf32>,
    %get3A_193 = arith.constant 48 : index
    %get3A_194 = tpu.vector_load %arg18[%get3A_193] {strides = array<i32>} : memref<128xf32, #tpu.memory_space<vmem>>, vector<16xf32>,
    %mul3A_195 = arith.constant 7.812500e-07 : f32
    %mul3A_196 = vector.broadcast %mul3A_195 : f32 to vector<16xf32>
    %mul3A_197 = arith.mulf %get3A_192, %mul3A_196 : vector<16xf32>
    %mul3A_198 = arith.constant 7.812500e-07 : f32
    %mul3A_199 = vector.broadcast %mul3A_198 : f32 to vector<16xf32>
    %mul3A_200 = arith.mulf %get3A_194, %mul3A_199 : vector<16xf32>
    %mul3A_201 = arith.mulf %mul3A_197, %mul3A_197 : vector<16xf32>
    %sub3A_202 = arith.subf %mul3A_200, %mul3A_201 : vector<16xf32>
    %add3A_203 = arith.constant 1.000000e-03 : f32
    %add3A_204 = vector.broadcast %add3A_203 : f32 to vector<16xf32>
    %add3A_205 = arith.addf %sub3A_202, %add3A_204 : vector<16xf32>
    %bitcast3A_206 = vector.bitcast %add3A_205 : vector<16xf32> to vector<16xi32>
    %shift_right_arithmetic3A_207 = arith.constant 1 : i32
    %shift_right_arithmetic3A_208 = vector.broadcast %shift_right_arithmetic3A_207 : i32 to vector<16xi32>
    %shift_right_arithmetic3A_209 = arith.shrsi %bitcast3A_206, %shift_right_arithmetic3A_208 : vector<16xi32>
    %sub3A_210 = arith.constant 1597463007 : i32
    %sub3A_211 = vector.broadcast %sub3A_210 : i32 to vector<16xi32>
    %sub3A_212 = arith.subi %sub3A_211, %shift_right_arithmetic3A_209 : vector<16xi32>
    %bitcast3A_213 = vector.bitcast %sub3A_212 : vector<16xi32> to vector<16xf32>
    %mul3A_214 = arith.constant 5.000000e-01 : f32
    %mul3A_215 = vector.broadcast %mul3A_214 : f32 to vector<16xf32>
    %mul3A_216 = arith.mulf %mul3A_215, %add3A_205 : vector<16xf32>
    %mul3A_217 = arith.mulf %mul3A_216, %bitcast3A_213 : vector<16xf32>
    %mul3A_218 = arith.mulf %mul3A_217, %bitcast3A_213 : vector<16xf32>
    %sub3A_219 = arith.constant 1.500000e+00 : f32
    %sub3A_220 = vector.broadcast %sub3A_219 : f32 to vector<16xf32>
    %sub3A_221 = arith.subf %sub3A_220, %mul3A_218 : vector<16xf32>
    %mul3A_222 = arith.mulf %bitcast3A_213, %sub3A_221 : vector<16xf32>
    %mul3A_223 = arith.constant 5.000000e-01 : f32
    %mul3A_224 = vector.broadcast %mul3A_223 : f32 to vector<16xf32>
    %mul3A_225 = arith.mulf %mul3A_224, %add3A_205 : vector<16xf32>
    %mul3A_226 = arith.mulf %mul3A_225, %mul3A_222 : vector<16xf32>
    %mul3A_227 = arith.mulf %mul3A_226, %mul3A_222 : vector<16xf32>
    %sub3A_228 = arith.constant 1.500000e+00 : f32
    %sub3A_229 = vector.broadcast %sub3A_228 : f32 to vector<16xf32>
    %sub3A_230 = arith.subf %sub3A_229, %mul3A_227 : vector<16xf32>
    %mul3A_231 = arith.mulf %mul3A_222, %sub3A_230 : vector<16xf32>
    %mul3A_232 = arith.constant 5.000000e-01 : f32
    %mul3A_233 = vector.broadcast %mul3A_232 : f32 to vector<16xf32>
    %mul3A_234 = arith.mulf %mul3A_233, %add3A_205 : vector<16xf32>
    %mul3A_235 = arith.mulf %mul3A_234, %mul3A_231 : vector<16xf32>
    %mul3A_236 = arith.mulf %mul3A_235, %mul3A_231 : vector<16xf32>
    %sub3A_237 = arith.constant 1.500000e+00 : f32
    %sub3A_238 = vector.broadcast %sub3A_237 : f32 to vector<16xf32>
    %sub3A_239 = arith.subf %sub3A_238, %mul3A_236 : vector<16xf32>
    %mul3A_240 = arith.mulf %mul3A_231, %sub3A_239 : vector<16xf32>
    %get3A_241 = arith.constant 48 : index
    %get3A_242 = tpu.vector_load %arg19[%get3A_241] {strides = array<i32>} : memref<64xf32, #tpu.memory_space<vmem>>, vector<16xf32>,
    %mul3A_243 = arith.mulf %get3A_242, %mul3A_240 : vector<16xf32>
    %get3A_244 = arith.constant 48 : index
    %get3A_245 = tpu.vector_load %arg20[%get3A_244] {strides = array<i32>} : memref<64xf32, #tpu.memory_space<vmem>>, vector<16xf32>,
    %mul3A_246 = arith.mulf %mul3A_197, %mul3A_243 : vector<16xf32>
    %sub3A_247 = arith.subf %get3A_245, %mul3A_246 : vector<16xf32>
    %swap3A_248 = arith.constant 48 : index
    %swap3A_249 = tpu.vector_load %arg15[%swap3A_248] {strides = array<i32>} : memref<64xf32, #tpu.memory_space<vmem>>, vector<16xf32>,
    tpu.vector_store %arg15[%swap3A_248], %mul3A_243 {strides = array<i32>} : memref<64xf32, #tpu.memory_space<vmem>>, vector<16xf32>,
    %swap3A_250 = arith.constant 48 : index
    %swap3A_251 = tpu.vector_load %arg16[%swap3A_250] {strides = array<i32>} : memref<64xf32, #tpu.memory_space<vmem>>, vector<16xf32>,
    tpu.vector_store %arg16[%swap3A_250], %sub3A_247 {strides = array<i32>} : memref<64xf32, #tpu.memory_space<vmem>>, vector<16xf32>,
    %get3A_252 = arith.constant 0 : index
    %get3A_253 = tpu.vector_load %arg15[%get3A_252] {strides = array<i32>} : memref<64xf32, #tpu.memory_space<vmem>>, vector<16xf32>,
    %get3A_254 = arith.constant 16 : index
    %get3A_255 = tpu.vector_load %arg15[%get3A_254] {strides = array<i32>} : memref<64xf32, #tpu.memory_space<vmem>>, vector<16xf32>,
    %get3A_256 = arith.constant 32 : index
    %get3A_257 = tpu.vector_load %arg15[%get3A_256] {strides = array<i32>} : memref<64xf32, #tpu.memory_space<vmem>>, vector<16xf32>,
    %get3A_258 = arith.constant 48 : index
    %get3A_259 = tpu.vector_load %arg15[%get3A_258] {strides = array<i32>} : memref<64xf32, #tpu.memory_space<vmem>>, vector<16xf32>,
    %get3A_260 = arith.constant 0 : index
    %get3A_261 = tpu.vector_load %arg16[%get3A_260] {strides = array<i32>} : memref<64xf32, #tpu.memory_space<vmem>>, vector<16xf32>,
    %get3A_262 = arith.constant 16 : index
    %get3A_263 = tpu.vector_load %arg16[%get3A_262] {strides = array<i32>} : memref<64xf32, #tpu.memory_space<vmem>>, vector<16xf32>,
    %get3A_264 = arith.constant 32 : index
    %get3A_265 = tpu.vector_load %arg16[%get3A_264] {strides = array<i32>} : memref<64xf32, #tpu.memory_space<vmem>>, vector<16xf32>,
    %get3A_266 = arith.constant 48 : index
    %get3A_267 = tpu.vector_load %arg16[%get3A_266] {strides = array<i32>} : memref<64xf32, #tpu.memory_space<vmem>>, vector<16xf32>,
    %mul3A_268 = arith.constant 1280 : i32
    %mul3A_269 = arith.muli %add3A, %mul3A_268 : i32
    %mul3A_270 = arith.constant 10 : i32
    %mul3A_271 = arith.muli %add3A, %mul3A_270 : i32
    %jit3A = arith.constant 8 : i32
    %div3A = arith.divsi %mul3A_271, %jit3A : i32
    %sign3A = arith.constant 0 : i32
    %sign3A_272 = arith.cmpi sgt, %mul3A_271, %sign3A : i32
    %sign3A_273 = arith.extui %sign3A_272 : i1 to i32
    %sign3A_274 = arith.constant 0 : i32
    %sign3A_275 = arith.cmpi slt, %mul3A_271, %sign3A_274 : i32
    %sign3A_276 = arith.extui %sign3A_275 : i1 to i32
    %sign3A_277 = arith.subi %sign3A_273, %sign3A_276 : i32
    %sign3A_278 = arith.constant 0 : i32
    %sign3A_279 = arith.cmpi sgt, %jit3A, %sign3A_278 : i32
    %sign3A_280 = arith.extui %sign3A_279 : i1 to i32
    %sign3A_281 = arith.constant 0 : i32
    %sign3A_282 = arith.cmpi slt, %jit3A, %sign3A_281 : i32
    %sign3A_283 = arith.extui %sign3A_282 : i1 to i32
    %sign3A_284 = arith.subi %sign3A_280, %sign3A_283 : i32
    %ne3A = arith.cmpi ne, %sign3A_277, %sign3A_284 : i32
    %rem3A = arith.remsi %mul3A_271, %jit3A : i32
    %ne3A_285 = arith.constant 0 : i32
    %ne3A_286 = arith.cmpi ne, %rem3A, %ne3A_285 : i32
    %and3A = arith.andi %ne3A, %ne3A_286 : i1
    %sub3A_287 = arith.constant 1 : i32
    %sub3A_288 = arith.subi %div3A, %sub3A_287 : i32
    %select_n3A = arith.select %and3A, %sub3A_288, %div3A : i32
    %mul3A_289 = arith.constant 8 : i32
    %mul3A_290 = arith.muli %select_n3A, %mul3A_289 : i32
    %mul3A_291 = arith.constant 10 : i32
    %mul3A_292 = arith.muli %add3A, %mul3A_291 : i32
    %sub3A_293 = arith.subi %mul3A_292, %mul3A_290 : i32
    "tpu.region"() ({
      %run_scoped3A_301 = tpu.sem_alloc : memref<!tpu.dma_semaphore, #tpu.memory_space<semaphore_mem>>
      %dma_start3A = arith.constant 0 : i32
      %dma_start3A_302 = tpu.memref_slice %arg4[%mul3A_290, %dma_start3A] : memref<320x128xi32, #tpu.memory_space<hbm>> -> memref<16x128xi32, #tpu.memory_space<hbm>>
      %dma_start3A_303 = arith.constant 0 : i32
      %dma_start3A_304 = tpu.memref_slice %arg4[%mul3A_290, %dma_start3A_303] : memref<320x128xi32, #tpu.memory_space<hbm>> -> memref<16x128xi32, #tpu.memory_space<hbm>>
      tpu.enqueue_dma source(%dma_start3A_304 : memref<16x128xi32, #tpu.memory_space<hbm>>) target(%arg11 : memref<16x128xi32, #tpu.memory_space<vmem>>) target_semaphore(%run_scoped3A_301 : memref<!tpu.dma_semaphore, #tpu.memory_space<semaphore_mem>>)
      %dma_wait3A = arith.constant 0 : i32
      %dma_wait3A_305 = tpu.memref_slice %arg4[%mul3A_290, %dma_wait3A] : memref<320x128xi32, #tpu.memory_space<hbm>> -> memref<16x128xi32, #tpu.memory_space<hbm>>
      %dma_wait3A_306 = arith.constant 0 : i32
      %dma_wait3A_307 = tpu.memref_slice %arg4[%mul3A_290, %dma_wait3A_306] : memref<320x128xi32, #tpu.memory_space<hbm>> -> memref<16x128xi32, #tpu.memory_space<hbm>>
      tpu.wait_dma2 semaphore(%run_scoped3A_301 : memref<!tpu.dma_semaphore, #tpu.memory_space<semaphore_mem>>) src(%dma_wait3A_307 : memref<16x128xi32, #tpu.memory_space<hbm>>) dst(%arg11 : memref<16x128xi32, #tpu.memory_space<vmem>>)
      tpu.yield
    }) : () -> ()
    %scan3A_294 = arith.constant 0 : i32
    %scan3A_295 = arith.constant 0 : i32
    %scan3A_296 = arith.constant 5 : i32
    %scan3A_297 = arith.addi %scan3A_295, %scan3A_296 : i32
    %scan3A_298 = arith.constant 1 : i32
    %scan3A_299 = scf.for %scan3A_301 = %scan3A_295 to %scan3A_297 step %scan3A_298 iter_args(%scan3A_302 = %scan3A_294) -> (i32)  : i32 {
      %mul3A_303 = arith.constant 256 : i32
      %mul3A_304 = arith.muli %scan3A_301, %mul3A_303 : i32
      %add3A_305 = arith.addi %mul3A_269, %mul3A_304 : i32
      %mul3A_306 = arith.constant 2 : i32
      %mul3A_307 = arith.muli %scan3A_301, %mul3A_306 : i32
      %add3A_308 = arith.addi %sub3A_293, %mul3A_307 : i32
      %dma_start3A = arith.constant 0 : i32
      %dma_start3A_309 = arith.constant 0 : i32
      %dma_start3A_310 = tpu.memref_slice %arg12[%dma_start3A, %dma_start3A_309] : memref<2x128xi32, #tpu.memory_space<vmem>> -> memref<1x128xi32, #tpu.memory_space<vmem>>
      %dma_start3A_311 = tpu.memref_squeeze %dma_start3A_310 : memref<1x128xi32, #tpu.memory_space<vmem>> -> memref<128xi32, #tpu.memory_space<vmem>>
      %dma_start3A_312 = arith.constant 0 : i32
      %dma_start3A_313 = tpu.memref_slice %arg11[%add3A_308, %dma_start3A_312] : memref<16x128xi32, #tpu.memory_space<vmem>> -> memref<1x128xi32, #tpu.memory_space<vmem>>
      %dma_start3A_314 = tpu.memref_squeeze %dma_start3A_313 : memref<1x128xi32, #tpu.memory_space<vmem>> -> memref<128xi32, #tpu.memory_space<vmem>>
      %dma_start3A_315 = arith.constant 0 : i32
      %dma_start3A_316 = tpu.memref_slice %arg21[%dma_start3A_315] : memref<857104xi32, #tpu.memory_space<vmem_shared>> -> memref<857104xi32, #tpu.memory_space<vmem_shared>>
      tpu.enqueue_indirect_dma source(%dma_start3A_316 : memref<857104xi32, #tpu.memory_space<vmem_shared>>) target(%dma_start3A_311 : memref<128xi32, #tpu.memory_space<vmem>>) offsets(%dma_start3A_314 : memref<128xi32, #tpu.memory_space<vmem>>) semaphore(%arg22 : memref<!tpu.dma_semaphore, #tpu.memory_space<semaphore_mem>>)
      %add3A_317 = arith.constant 1 : i32
      %add3A_318 = arith.addi %add3A_308, %add3A_317 : i32
      %dma_start3A_319 = arith.constant 1 : i32
      %dma_start3A_320 = arith.constant 0 : i32
      %dma_start3A_321 = tpu.memref_slice %arg12[%dma_start3A_319, %dma_start3A_320] : memref<2x128xi32, #tpu.memory_space<vmem>> -> memref<1x128xi32, #tpu.memory_space<vmem>>
      %dma_start3A_322 = tpu.memref_squeeze %dma_start3A_321 : memref<1x128xi32, #tpu.memory_space<vmem>> -> memref<128xi32, #tpu.memory_space<vmem>>
      %dma_start3A_323 = arith.constant 0 : i32
      %dma_start3A_324 = tpu.memref_slice %arg11[%add3A_318, %dma_start3A_323] : memref<16x128xi32, #tpu.memory_space<vmem>> -> memref<1x128xi32, #tpu.memory_space<vmem>>
      %dma_start3A_325 = tpu.memref_squeeze %dma_start3A_324 : memref<1x128xi32, #tpu.memory_space<vmem>> -> memref<128xi32, #tpu.memory_space<vmem>>
      %dma_start3A_326 = arith.constant 0 : i32
      %dma_start3A_327 = tpu.memref_slice %arg21[%dma_start3A_326] : memref<857104xi32, #tpu.memory_space<vmem_shared>> -> memref<857104xi32, #tpu.memory_space<vmem_shared>>
      tpu.enqueue_indirect_dma source(%dma_start3A_327 : memref<857104xi32, #tpu.memory_space<vmem_shared>>) target(%dma_start3A_322 : memref<128xi32, #tpu.memory_space<vmem>>) offsets(%dma_start3A_325 : memref<128xi32, #tpu.memory_space<vmem>>) semaphore(%arg22 : memref<!tpu.dma_semaphore, #tpu.memory_space<semaphore_mem>>)
      %dma_start3A_328 = arith.constant 0 : i32
      %dma_start3A_329 = tpu.memref_slice %arg3[%add3A_305, %dma_start3A_328] : memref<40960x64xf32, #tpu.memory_space<hbm>> -> memref<256x64xf32, #tpu.memory_space<hbm>>
      %dma_start3A_330 = arith.constant 0 : i32
      %dma_start3A_331 = tpu.memref_slice %arg3[%add3A_305, %dma_start3A_330] : memref<40960x64xf32, #tpu.memory_space<hbm>> -> memref<256x64xf32, #tpu.memory_space<hbm>>
      tpu.enqueue_dma source(%dma_start3A_331 : memref<256x64xf32, #tpu.memory_space<hbm>>) target(%arg10 : memref<256x64xf32, #tpu.memory_space<vmem>>) target_semaphore(%arg23 : memref<!tpu.dma_semaphore, #tpu.memory_space<semaphore_mem>>)
      %dma_wait3A = arith.constant 0 : i32
      %dma_wait3A_332 = arith.constant 0 : i32
      %dma_wait3A_333 = tpu.memref_slice %arg12[%dma_wait3A, %dma_wait3A_332] : memref<2x128xi32, #tpu.memory_space<vmem>> -> memref<1x128xi32, #tpu.memory_space<vmem>>
      %dma_wait3A_334 = tpu.memref_squeeze %dma_wait3A_333 : memref<1x128xi32, #tpu.memory_space<vmem>> -> memref<128xi32, #tpu.memory_space<vmem>>
      %dma_wait3A_335 = arith.constant 0 : i32
      %dma_wait3A_336 = tpu.memref_slice %arg11[%add3A_308, %dma_wait3A_335] : memref<16x128xi32, #tpu.memory_space<vmem>> -> memref<1x128xi32, #tpu.memory_space<vmem>>
      %dma_wait3A_337 = tpu.memref_squeeze %dma_wait3A_336 : memref<1x128xi32, #tpu.memory_space<vmem>> -> memref<128xi32, #tpu.memory_space<vmem>>
      %dma_wait3A_338 = arith.constant 0 : i32
      %dma_wait3A_339 = tpu.memref_slice %arg21[%dma_wait3A_338] : memref<857104xi32, #tpu.memory_space<vmem_shared>> -> memref<857104xi32, #tpu.memory_space<vmem_shared>>
      tpu.wait_indirect_dma semaphore(%arg22 : memref<!tpu.dma_semaphore, #tpu.memory_space<semaphore_mem>>) src(%dma_wait3A_339 : memref<857104xi32, #tpu.memory_space<vmem_shared>>) dst(%dma_wait3A_334 : memref<128xi32, #tpu.memory_space<vmem>>)
      %dma_wait3A_340 = arith.constant 1 : i32
      %dma_wait3A_341 = arith.constant 0 : i32
      %dma_wait3A_342 = tpu.memref_slice %arg12[%dma_wait3A_340, %dma_wait3A_341] : memref<2x128xi32, #tpu.memory_space<vmem>> -> memref<1x128xi32, #tpu.memory_space<vmem>>
      %dma_wait3A_343 = tpu.memref_squeeze %dma_wait3A_342 : memref<1x128xi32, #tpu.memory_space<vmem>> -> memref<128xi32, #tpu.memory_space<vmem>>
      %dma_wait3A_344 = arith.constant 0 : i32
      %dma_wait3A_345 = tpu.memref_slice %arg11[%add3A_318, %dma_wait3A_344] : memref<16x128xi32, #tpu.memory_space<vmem>> -> memref<1x128xi32, #tpu.memory_space<vmem>>
      %dma_wait3A_346 = tpu.memref_squeeze %dma_wait3A_345 : memref<1x128xi32, #tpu.memory_space<vmem>> -> memref<128xi32, #tpu.memory_space<vmem>>
      %dma_wait3A_347 = arith.constant 0 : i32
      %dma_wait3A_348 = tpu.memref_slice %arg21[%dma_wait3A_347] : memref<857104xi32, #tpu.memory_space<vmem_shared>> -> memref<857104xi32, #tpu.memory_space<vmem_shared>>
      tpu.wait_indirect_dma semaphore(%arg22 : memref<!tpu.dma_semaphore, #tpu.memory_space<semaphore_mem>>) src(%dma_wait3A_348 : memref<857104xi32, #tpu.memory_space<vmem_shared>>) dst(%dma_wait3A_343 : memref<128xi32, #tpu.memory_space<vmem>>)
      %dma_wait3A_349 = arith.constant 0 : i32
      %dma_wait3A_350 = tpu.memref_slice %arg3[%add3A_305, %dma_wait3A_349] : memref<40960x64xf32, #tpu.memory_space<hbm>> -> memref<256x64xf32, #tpu.memory_space<hbm>>
      %dma_wait3A_351 = arith.constant 0 : i32
      %dma_wait3A_352 = tpu.memref_slice %arg3[%add3A_305, %dma_wait3A_351] : memref<40960x64xf32, #tpu.memory_space<hbm>> -> memref<256x64xf32, #tpu.memory_space<hbm>>
      tpu.wait_dma2 semaphore(%arg23 : memref<!tpu.dma_semaphore, #tpu.memory_space<semaphore_mem>>) src(%dma_wait3A_352 : memref<256x64xf32, #tpu.memory_space<hbm>>) dst(%arg10 : memref<256x64xf32, #tpu.memory_space<vmem>>)
      %scan3A_353 = arith.constant 0 : i32
      %scan3A_354 = arith.constant 0 : i32
      %scan3A_355 = arith.constant 256 : i32
      %scan3A_356 = arith.addi %scan3A_354, %scan3A_355 : i32
      %scan3A_357 = arith.constant 1 : i32
      %scan3A_358 = scf.for %scan3A_408 = %scan3A_354 to %scan3A_356 step %scan3A_357 iter_args(%scan3A_409 = %scan3A_353) -> (i32)  : i32 {
        %get3A_410 = arith.index_cast %scan3A_408 : i32 to index
        %get3A_411 = arith.constant 0 : index
        %get3A_412 = tpu.vector_load %arg10[%get3A_410, %get3A_411] {strides = array<i32>} : memref<256x64xf32, #tpu.memory_space<vmem>>, vector<16xf32>,
        %mul3A_413 = arith.mulf %get3A_412, %get3A_253 : vector<16xf32>
        %add3A_414 = arith.addf %mul3A_413, %get3A_261 : vector<16xf32>
        %max3A = arith.constant 0.000000e+00 : f32
        %max3A_415 = vector.broadcast %max3A : f32 to vector<16xf32>
        %max3A_416 = arith.maximumf %add3A_414, %max3A_415 : vector<16xf32>
        %swap3A_417 = arith.index_cast %scan3A_408 : i32 to index
        %swap3A_418 = arith.constant 0 : index
        %swap3A_419 = tpu.vector_load %arg10[%swap3A_417, %swap3A_418] {strides = array<i32>} : memref<256x64xf32, #tpu.memory_space<vmem>>, vector<16xf32>,
        tpu.vector_store %arg10[%swap3A_417, %swap3A_418], %max3A_416 {strides = array<i32>} : memref<256x64xf32, #tpu.memory_space<vmem>>, vector<16xf32>,
        %get3A_420 = arith.index_cast %scan3A_408 : i32 to index
        %get3A_421 = arith.constant 16 : index
        %get3A_422 = tpu.vector_load %arg10[%get3A_420, %get3A_421] {strides = array<i32>} : memref<256x64xf32, #tpu.memory_space<vmem>>, vector<16xf32>,
        %mul3A_423 = arith.mulf %get3A_422, %get3A_255 : vector<16xf32>
        %add3A_424 = arith.addf %mul3A_423, %get3A_263 : vector<16xf32>
        %max3A_425 = arith.constant 0.000000e+00 : f32
        %max3A_426 = vector.broadcast %max3A_425 : f32 to vector<16xf32>
        %max3A_427 = arith.maximumf %add3A_424, %max3A_426 : vector<16xf32>
        %swap3A_428 = arith.index_cast %scan3A_408 : i32 to index
        %swap3A_429 = arith.constant 16 : index
        %swap3A_430 = tpu.vector_load %arg10[%swap3A_428, %swap3A_429] {strides = array<i32>} : memref<256x64xf32, #tpu.memory_space<vmem>>, vector<16xf32>,
        tpu.vector_store %arg10[%swap3A_428, %swap3A_429], %max3A_427 {strides = array<i32>} : memref<256x64xf32, #tpu.memory_space<vmem>>, vector<16xf32>,
        %get3A_431 = arith.index_cast %scan3A_408 : i32 to index
        %get3A_432 = arith.constant 32 : index
        %get3A_433 = tpu.vector_load %arg10[%get3A_431, %get3A_432] {strides = array<i32>} : memref<256x64xf32, #tpu.memory_space<vmem>>, vector<16xf32>,
        %mul3A_434 = arith.mulf %get3A_433, %get3A_257 : vector<16xf32>
        %add3A_435 = arith.addf %mul3A_434, %get3A_265 : vector<16xf32>
        %max3A_436 = arith.constant 0.000000e+00 : f32
        %max3A_437 = vector.broadcast %max3A_436 : f32 to vector<16xf32>
        %max3A_438 = arith.maximumf %add3A_435, %max3A_437 : vector<16xf32>
        %swap3A_439 = arith.index_cast %scan3A_408 : i32 to index
        %swap3A_440 = arith.constant 32 : index
        %swap3A_441 = tpu.vector_load %arg10[%swap3A_439, %swap3A_440] {strides = array<i32>} : memref<256x64xf32, #tpu.memory_space<vmem>>, vector<16xf32>,
        tpu.vector_store %arg10[%swap3A_439, %swap3A_440], %max3A_438 {strides = array<i32>} : memref<256x64xf32, #tpu.memory_space<vmem>>, vector<16xf32>,
        %get3A_442 = arith.index_cast %scan3A_408 : i32 to index
        %get3A_443 = arith.constant 48 : index
        %get3A_444 = tpu.vector_load %arg10[%get3A_442, %get3A_443] {strides = array<i32>} : memref<256x64xf32, #tpu.memory_space<vmem>>, vector<16xf32>,
        %mul3A_445 = arith.mulf %get3A_444, %get3A_259 : vector<16xf32>
        %add3A_446 = arith.addf %mul3A_445, %get3A_267 : vector<16xf32>
        %max3A_447 = arith.constant 0.000000e+00 : f32
        %max3A_448 = vector.broadcast %max3A_447 : f32 to vector<16xf32>
        %max3A_449 = arith.maximumf %add3A_446, %max3A_448 : vector<16xf32>
        %swap3A_450 = arith.index_cast %scan3A_408 : i32 to index
        %swap3A_451 = arith.constant 48 : index
        %swap3A_452 = tpu.vector_load %arg10[%swap3A_450, %swap3A_451] {strides = array<i32>} : memref<256x64xf32, #tpu.memory_space<vmem>>, vector<16xf32>,
        tpu.vector_store %arg10[%swap3A_450, %swap3A_451], %max3A_449 {strides = array<i32>} : memref<256x64xf32, #tpu.memory_space<vmem>>, vector<16xf32>,
        %scan3A_453 = arith.constant 0 : i32
        scf.yield %scan3A_453 : i32
      }
      %scan3A_359 = arith.constant 256 : i32
      %scan3A_360 = arith.constant 0 : i32
      %scan3A_361 = arith.constant 0 : i32
      %scan3A_362 = arith.constant 2 : i32
      %scan3A_363 = arith.addi %scan3A_361, %scan3A_362 : i32
      %scan3A_364 = arith.constant 1 : i32
      %scan3A_365 = scf.for %scan3A_408 = %scan3A_361 to %scan3A_363 step %scan3A_364 iter_args(%scan3A_409 = %scan3A_360) -> (i32)  : i32 {
        %scan3A_410 = arith.constant 0 : i32
        %scan3A_411 = arith.constant 0 : i32
        %scan3A_412 = arith.constant 8 : i32
        %scan3A_413 = arith.addi %scan3A_411, %scan3A_412 : i32
        %scan3A_414 = arith.constant 1 : i32
        %scan3A_415 = scf.for %scan3A_418 = %scan3A_411 to %scan3A_413 step %scan3A_414 iter_args(%scan3A_419 = %scan3A_410) -> (i32)  : i32 {
          %add3A_420 = arith.addi %add3A_308, %scan3A_408 : i32
          %mul3A_421 = arith.constant 16 : i32
          %mul3A_422 = arith.muli %scan3A_418, %mul3A_421 : i32
          %get3A_423 = arith.index_cast %add3A_420 : i32 to index
          %get3A_424 = arith.index_cast %mul3A_422 : i32 to index
          %get3A_425 = tpu.vector_load %arg11[%get3A_423, %get3A_424] {strides = array<i32>} : memref<16x128xi32, #tpu.memory_space<vmem>>, vector<16xi32>,
          %mul3A_426 = arith.constant 16 : i32
          %mul3A_427 = arith.muli %scan3A_418, %mul3A_426 : i32
          %get3A_428 = arith.index_cast %scan3A_408 : i32 to index
          %get3A_429 = arith.index_cast %mul3A_427 : i32 to index
          %get3A_430 = tpu.vector_load %arg12[%get3A_428, %get3A_429] {strides = array<i32>} : memref<2x128xi32, #tpu.memory_space<vmem>>, vector<16xi32>,
          %mul3A_431 = arith.constant 128 : i32
          %mul3A_432 = arith.muli %scan3A_408, %mul3A_431 : i32
          %add3A_433 = arith.addi %add3A_305, %mul3A_432 : i32
          %mul3A_434 = arith.constant 16 : i32
          %mul3A_435 = arith.muli %scan3A_418, %mul3A_434 : i32
          %add3A_436 = arith.addi %add3A_433, %mul3A_435 : i32
          %add3A_437 = vector.broadcast %add3A_436 : i32 to vector<16xi32>
          %add3A_438 = arith.addi %add3A_437, %iota3A : vector<16xi32>
          %lt3A = arith.constant 857088 : i32
          %lt3A_439 = vector.broadcast %lt3A : i32 to vector<16xi32>
          %lt3A_440 = arith.cmpi slt, %get3A_425, %lt3A_439 : vector<16xi32>
          %eq3A = arith.cmpi eq, %get3A_430, %add3A_438 : vector<16xi32>
          %and3A_441 = arith.andi %lt3A_440, %eq3A : vector<16xi1>
          %jit3A_442 = arith.constant 857088 : i32
          %broadcast_in_dim3A_443 = vector.broadcast %jit3A_442 : i32 to vector<16xi32>
          %select_n3A_444 = arith.select %and3A_441, %get3A_425, %broadcast_in_dim3A_443 : vector<16xi1>, vector<16xi32>
          %mul3A_445 = arith.constant 16 : i32
          %mul3A_446 = arith.muli %scan3A_418, %mul3A_445 : i32
          %swap3A_447 = arith.index_cast %scan3A_408 : i32 to index
          %swap3A_448 = arith.index_cast %mul3A_446 : i32 to index
          %swap3A_449 = tpu.vector_load %arg13[%swap3A_447, %swap3A_448] {strides = array<i32>} : memref<2x128xi32, #tpu.memory_space<vmem>>, vector<16xi32>,
          tpu.vector_store %arg13[%swap3A_447, %swap3A_448], %select_n3A_444 {strides = array<i32>} : memref<2x128xi32, #tpu.memory_space<vmem>>, vector<16xi32>,
          %scan3A_450 = arith.constant 0 : i32
          scf.yield %scan3A_450 : i32
        }
        %scan3A_416 = arith.constant 8 : i32
        %scan3A_417 = arith.constant 0 : i32
        scf.yield %scan3A_417 : i32
      }
      %scan3A_366 = arith.constant 2 : i32
      %dma_start3A_367 = arith.constant 0 : i32
      %dma_start3A_368 = arith.constant 0 : i32
      %dma_start3A_369 = arith.constant 0 : i32
      %dma_start3A_370 = tpu.memref_slice %arg10[%dma_start3A_368, %dma_start3A_369] : memref<256x64xf32, #tpu.memory_space<vmem>> -> memref<128x64xf32, #tpu.memory_space<vmem>>
      %dma_start3A_371 = arith.constant 0 : i32
      %dma_start3A_372 = tpu.memref_slice %arg13[%dma_start3A_367, %dma_start3A_371] : memref<2x128xi32, #tpu.memory_space<vmem>> -> memref<1x128xi32, #tpu.memory_space<vmem>>
      %dma_start3A_373 = tpu.memref_squeeze %dma_start3A_372 : memref<1x128xi32, #tpu.memory_space<vmem>> -> memref<128xi32, #tpu.memory_space<vmem>>
      %dma_start3A_374 = arith.constant 0 : i32
      %dma_start3A_375 = arith.constant 0 : i32
      %dma_start3A_376 = tpu.memref_slice %arg2[%dma_start3A_374, %dma_start3A_375] : memref<857600x64xf32, #tpu.memory_space<hbm>> -> memref<857600x64xf32, #tpu.memory_space<hbm>>
      tpu.enqueue_indirect_dma source(%dma_start3A_370 : memref<128x64xf32, #tpu.memory_space<vmem>>) target(%dma_start3A_376 : memref<857600x64xf32, #tpu.memory_space<hbm>>) offsets(%dma_start3A_373 : memref<128xi32, #tpu.memory_space<vmem>>) semaphore(%arg22 : memref<!tpu.dma_semaphore, #tpu.memory_space<semaphore_mem>>)
      %dma_start3A_377 = arith.constant 1 : i32
      %dma_start3A_378 = arith.constant 128 : i32
      %dma_start3A_379 = arith.constant 0 : i32
      %dma_start3A_380 = tpu.memref_slice %arg10[%dma_start3A_378, %dma_start3A_379] : memref<256x64xf32, #tpu.memory_space<vmem>> -> memref<128x64xf32, #tpu.memory_space<vmem>>
      %dma_start3A_381 = arith.constant 0 : i32
      %dma_start3A_382 = tpu.memref_slice %arg13[%dma_start3A_377, %dma_start3A_381] : memref<2x128xi32, #tpu.memory_space<vmem>> -> memref<1x128xi32, #tpu.memory_space<vmem>>
      %dma_start3A_383 = tpu.memref_squeeze %dma_start3A_382 : memref<1x128xi32, #tpu.memory_space<vmem>> -> memref<128xi32, #tpu.memory_space<vmem>>
      %dma_start3A_384 = arith.constant 0 : i32
      %dma_start3A_385 = arith.constant 0 : i32
      %dma_start3A_386 = tpu.memref_slice %arg2[%dma_start3A_384, %dma_start3A_385] : memref<857600x64xf32, #tpu.memory_space<hbm>> -> memref<857600x64xf32, #tpu.memory_space<hbm>>
      tpu.enqueue_indirect_dma source(%dma_start3A_380 : memref<128x64xf32, #tpu.memory_space<vmem>>) target(%dma_start3A_386 : memref<857600x64xf32, #tpu.memory_space<hbm>>) offsets(%dma_start3A_383 : memref<128xi32, #tpu.memory_space<vmem>>) semaphore(%arg22 : memref<!tpu.dma_semaphore, #tpu.memory_space<semaphore_mem>>)
      %dma_wait3A_387 = arith.constant 0 : i32
      %dma_wait3A_388 = arith.constant 0 : i32
      %dma_wait3A_389 = arith.constant 0 : i32
      %dma_wait3A_390 = tpu.memref_slice %arg10[%dma_wait3A_388, %dma_wait3A_389] : memref<256x64xf32, #tpu.memory_space<vmem>> -> memref<128x64xf32, #tpu.memory_space<vmem>>
      %dma_wait3A_391 = arith.constant 0 : i32
      %dma_wait3A_392 = tpu.memref_slice %arg13[%dma_wait3A_387, %dma_wait3A_391] : memref<2x128xi32, #tpu.memory_space<vmem>> -> memref<1x128xi32, #tpu.memory_space<vmem>>
      %dma_wait3A_393 = tpu.memref_squeeze %dma_wait3A_392 : memref<1x128xi32, #tpu.memory_space<vmem>> -> memref<128xi32, #tpu.memory_space<vmem>>
      %dma_wait3A_394 = arith.constant 0 : i32
      %dma_wait3A_395 = arith.constant 0 : i32
      %dma_wait3A_396 = tpu.memref_slice %arg2[%dma_wait3A_394, %dma_wait3A_395] : memref<857600x64xf32, #tpu.memory_space<hbm>> -> memref<857600x64xf32, #tpu.memory_space<hbm>>
      tpu.wait_indirect_dma semaphore(%arg22 : memref<!tpu.dma_semaphore, #tpu.memory_space<semaphore_mem>>) src(%dma_wait3A_390 : memref<128x64xf32, #tpu.memory_space<vmem>>) dst(%dma_wait3A_396 : memref<857600x64xf32, #tpu.memory_space<hbm>>)
      %dma_wait3A_397 = arith.constant 1 : i32
      %dma_wait3A_398 = arith.constant 128 : i32
      %dma_wait3A_399 = arith.constant 0 : i32
      %dma_wait3A_400 = tpu.memref_slice %arg10[%dma_wait3A_398, %dma_wait3A_399] : memref<256x64xf32, #tpu.memory_space<vmem>> -> memref<128x64xf32, #tpu.memory_space<vmem>>
      %dma_wait3A_401 = arith.constant 0 : i32
      %dma_wait3A_402 = tpu.memref_slice %arg13[%dma_wait3A_397, %dma_wait3A_401] : memref<2x128xi32, #tpu.memory_space<vmem>> -> memref<1x128xi32, #tpu.memory_space<vmem>>
      %dma_wait3A_403 = tpu.memref_squeeze %dma_wait3A_402 : memref<1x128xi32, #tpu.memory_space<vmem>> -> memref<128xi32, #tpu.memory_space<vmem>>
      %dma_wait3A_404 = arith.constant 0 : i32
      %dma_wait3A_405 = arith.constant 0 : i32
      %dma_wait3A_406 = tpu.memref_slice %arg2[%dma_wait3A_404, %dma_wait3A_405] : memref<857600x64xf32, #tpu.memory_space<hbm>> -> memref<857600x64xf32, #tpu.memory_space<hbm>>
      tpu.wait_indirect_dma semaphore(%arg22 : memref<!tpu.dma_semaphore, #tpu.memory_space<semaphore_mem>>) src(%dma_wait3A_400 : memref<128x64xf32, #tpu.memory_space<vmem>>) dst(%dma_wait3A_406 : memref<857600x64xf32, #tpu.memory_space<hbm>>)
      %scan3A_407 = arith.constant 0 : i32
      scf.yield %scan3A_407 : i32
    }
    %scan3A_300 = arith.constant 5 : i32
    return
  }
}

module attributes {stable_mosaic.version = 14 : i64} {
  func.func @_vfe_body(%arg0: i32, %arg1: memref<4x32x512xf32, #tpu.memory_space<vmem>>, %arg2: memref<4x512xf32, #tpu.memory_space<vmem>>, %arg3: memref<1x512xf32, #tpu.memory_space<vmem>>, %arg4: memref<80x512xf32, #tpu.memory_space<vmem>>, %arg5: memref<512x64xf32, #tpu.memory_space<vmem>>, %arg6: memref<1x512xi32, #tpu.memory_space<vmem>>, %arg7: memref<8x128xf32, #tpu.memory_space<vmem>>, %arg8: memref<10720x64xf32, #tpu.memory_space<vmem>>, %arg9: memref<8x128xf32, #tpu.memory_space<vmem>>) attributes {dimension_semantics = [#tpu.dimension_semantics<arbitrary>], iteration_bounds = array<i64: 80>, scalar_prefetch = 0 : i64, scratch_operands = 1 : i64, tpu.core_type = #tpu.core_type<tc>, window_params = [{transform_indices = @transform_0, window_bounds = array<i64: 4, 32, 512>}, {transform_indices = @transform_1, window_bounds = array<i64: 4, 512>}, {transform_indices = @transform_2, window_bounds = array<i64: 1, 512>}, {pipeline_mode = #tpu.pipeline_mode<synchronous>, transform_indices = @transform_3, window_bounds = array<i64: 80, 512>}, {transform_indices = @transform_4, window_bounds = array<i64: 512, 64>}, {transform_indices = @transform_5, window_bounds = array<i64: 1, 512>}, {pipeline_mode = #tpu.pipeline_mode<synchronous>, transform_indices = @transform_6, window_bounds = array<i64: 8, 128>}, {transform_indices = @transform_7, window_bounds = array<i64: 10720, 64>}]} {
    %get3A = arith.constant 0 : index
    %get3A_0 = arith.constant 0 : index
    %get3A_1 = vector.load %arg3[%get3A, %get3A_0] : memref<1x512xf32, #tpu.memory_space<vmem>>, vector<1x512xf32>
    %max3A = arith.constant 1.000000e+00 : f32
    %max3A_2 = vector.broadcast %max3A : f32 to vector<1x512xf32>
    %max3A_3 = arith.maximumf %get3A_1, %max3A_2 : vector<1x512xf32>
    %iota3A = tpu.iota {dimensions = array<i32: 0>} : vector<32x512xi32>
    %convert_element_type3A = arith.sitofp %iota3A : vector<32x512xi32> to vector<32x512xf32>
    %lt3A = vector.broadcast %get3A_1 : vector<1x512xf32> to vector<32x512xf32>
    %lt3A_4 = arith.cmpf olt, %convert_element_type3A, %lt3A : vector<32x512xf32>
    %convert_element_type3A_5 = arith.extui %lt3A_4 : vector<32x512xi1> to vector<32x512xi32>
    %convert_element_type3A_6 = arith.sitofp %convert_element_type3A_5 : vector<32x512xi32> to vector<32x512xf32>
    %get3A_7 = arith.constant 0 : index
    %get3A_8 = arith.constant 0 : index
    %get3A_9 = arith.constant 0 : index
    %get3A_10 = vector.load %arg1[%get3A_7, %get3A_8, %get3A_9] : memref<4x32x512xf32, #tpu.memory_space<vmem>>, vector<1x32x512xf32>
    %get3A_11 = vector.shape_cast %get3A_10 : vector<1x32x512xf32> to vector<32x512xf32>
    %get3A_12 = arith.constant 1 : index
    %get3A_13 = arith.constant 0 : index
    %get3A_14 = arith.constant 0 : index
    %get3A_15 = vector.load %arg1[%get3A_12, %get3A_13, %get3A_14] : memref<4x32x512xf32, #tpu.memory_space<vmem>>, vector<1x32x512xf32>
    %get3A_16 = vector.shape_cast %get3A_15 : vector<1x32x512xf32> to vector<32x512xf32>
    %get3A_17 = arith.constant 2 : index
    %get3A_18 = arith.constant 0 : index
    %get3A_19 = arith.constant 0 : index
    %get3A_20 = vector.load %arg1[%get3A_17, %get3A_18, %get3A_19] : memref<4x32x512xf32, #tpu.memory_space<vmem>>, vector<1x32x512xf32>
    %get3A_21 = vector.shape_cast %get3A_20 : vector<1x32x512xf32> to vector<32x512xf32>
    %get3A_22 = arith.constant 3 : index
    %get3A_23 = arith.constant 0 : index
    %get3A_24 = arith.constant 0 : index
    %get3A_25 = vector.load %arg1[%get3A_22, %get3A_23, %get3A_24] : memref<4x32x512xf32, #tpu.memory_space<vmem>>, vector<1x32x512xf32>
    %get3A_26 = vector.shape_cast %get3A_25 : vector<1x32x512xf32> to vector<32x512xf32>
    %mul3A = arith.mulf %get3A_11, %convert_element_type3A_6 : vector<32x512xf32>
    %reduce_sum3A = arith.constant dense<0.000000e+00> : vector<512xf32>
    %reduce_sum3A_27 = vector.multi_reduction <add>, %mul3A, %reduce_sum3A [0] : vector<32x512xf32> to vector<512xf32>
    %broadcast_in_dim3A = vector.shape_cast %reduce_sum3A_27 : vector<512xf32> to vector<1x512xf32>
    %div3A = arith.divf %broadcast_in_dim3A, %max3A_3 : vector<1x512xf32>
    %mul3A_28 = arith.mulf %get3A_16, %convert_element_type3A_6 : vector<32x512xf32>
    %reduce_sum3A_29 = arith.constant dense<0.000000e+00> : vector<512xf32>
    %reduce_sum3A_30 = vector.multi_reduction <add>, %mul3A_28, %reduce_sum3A_29 [0] : vector<32x512xf32> to vector<512xf32>
    %broadcast_in_dim3A_31 = vector.shape_cast %reduce_sum3A_30 : vector<512xf32> to vector<1x512xf32>
    %div3A_32 = arith.divf %broadcast_in_dim3A_31, %max3A_3 : vector<1x512xf32>
    %mul3A_33 = arith.mulf %get3A_21, %convert_element_type3A_6 : vector<32x512xf32>
    %reduce_sum3A_34 = arith.constant dense<0.000000e+00> : vector<512xf32>
    %reduce_sum3A_35 = vector.multi_reduction <add>, %mul3A_33, %reduce_sum3A_34 [0] : vector<32x512xf32> to vector<512xf32>
    %broadcast_in_dim3A_36 = vector.shape_cast %reduce_sum3A_35 : vector<512xf32> to vector<1x512xf32>
    %div3A_37 = arith.divf %broadcast_in_dim3A_36, %max3A_3 : vector<1x512xf32>
    %get3A_38 = arith.constant 3 : index
    %get3A_39 = arith.constant 0 : index
    %get3A_40 = vector.load %arg2[%get3A_38, %get3A_39] : memref<4x512xf32, #tpu.memory_space<vmem>>, vector<1x512xf32>
    %mul3A_41 = arith.constant 1.600000e-01 : f32
    %mul3A_42 = vector.broadcast %mul3A_41 : f32 to vector<1x512xf32>
    %mul3A_43 = arith.mulf %get3A_40, %mul3A_42 : vector<1x512xf32>
    %add3A = arith.constant 8.000000e-02 : f32
    %add3A_44 = vector.broadcast %add3A : f32 to vector<1x512xf32>
    %add3A_45 = arith.addf %mul3A_43, %add3A_44 : vector<1x512xf32>
    %get3A_46 = arith.constant 2 : index
    %get3A_47 = arith.constant 0 : index
    %get3A_48 = vector.load %arg2[%get3A_46, %get3A_47] : memref<4x512xf32, #tpu.memory_space<vmem>>, vector<1x512xf32>
    %mul3A_49 = arith.constant 1.600000e-01 : f32
    %mul3A_50 = vector.broadcast %mul3A_49 : f32 to vector<1x512xf32>
    %mul3A_51 = arith.mulf %get3A_48, %mul3A_50 : vector<1x512xf32>
    %add3A_52 = arith.constant -3.960000e+01 : f32
    %add3A_53 = vector.broadcast %add3A_52 : f32 to vector<1x512xf32>
    %add3A_54 = arith.addf %mul3A_51, %add3A_53 : vector<1x512xf32>
    %get3A_55 = arith.constant 1 : index
    %get3A_56 = arith.constant 0 : index
    %get3A_57 = vector.load %arg2[%get3A_55, %get3A_56] : memref<4x512xf32, #tpu.memory_space<vmem>>, vector<1x512xf32>
    %mul3A_58 = arith.constant 4.000000e+00 : f32
    %mul3A_59 = vector.broadcast %mul3A_58 : f32 to vector<1x512xf32>
    %mul3A_60 = arith.mulf %get3A_57, %mul3A_59 : vector<1x512xf32>
    %add3A_61 = arith.constant -1.000000e+00 : f32
    %add3A_62 = vector.broadcast %add3A_61 : f32 to vector<1x512xf32>
    %add3A_63 = arith.addf %mul3A_60, %add3A_62 : vector<1x512xf32>
    %mul3A_64 = arith.mulf %get3A_11, %convert_element_type3A_6 : vector<32x512xf32>
    %mul3A_65 = arith.mulf %get3A_16, %convert_element_type3A_6 : vector<32x512xf32>
    %mul3A_66 = arith.mulf %get3A_21, %convert_element_type3A_6 : vector<32x512xf32>
    %mul3A_67 = arith.mulf %get3A_26, %convert_element_type3A_6 : vector<32x512xf32>
    %sub3A = vector.broadcast %div3A : vector<1x512xf32> to vector<32x512xf32>
    %sub3A_68 = arith.subf %get3A_11, %sub3A : vector<32x512xf32>
    %mul3A_69 = arith.mulf %sub3A_68, %convert_element_type3A_6 : vector<32x512xf32>
    %sub3A_70 = vector.broadcast %div3A_32 : vector<1x512xf32> to vector<32x512xf32>
    %sub3A_71 = arith.subf %get3A_16, %sub3A_70 : vector<32x512xf32>
    %mul3A_72 = arith.mulf %sub3A_71, %convert_element_type3A_6 : vector<32x512xf32>
    %sub3A_73 = vector.broadcast %div3A_37 : vector<1x512xf32> to vector<32x512xf32>
    %sub3A_74 = arith.subf %get3A_21, %sub3A_73 : vector<32x512xf32>
    %mul3A_75 = arith.mulf %sub3A_74, %convert_element_type3A_6 : vector<32x512xf32>
    %sub3A_76 = vector.broadcast %add3A_45 : vector<1x512xf32> to vector<32x512xf32>
    %sub3A_77 = arith.subf %get3A_11, %sub3A_76 : vector<32x512xf32>
    %mul3A_78 = arith.mulf %sub3A_77, %convert_element_type3A_6 : vector<32x512xf32>
    %sub3A_79 = vector.broadcast %add3A_54 : vector<1x512xf32> to vector<32x512xf32>
    %sub3A_80 = arith.subf %get3A_16, %sub3A_79 : vector<32x512xf32>
    %mul3A_81 = arith.mulf %sub3A_80, %convert_element_type3A_6 : vector<32x512xf32>
    %sub3A_82 = vector.broadcast %add3A_63 : vector<1x512xf32> to vector<32x512xf32>
    %sub3A_83 = arith.subf %get3A_21, %sub3A_82 : vector<32x512xf32>
    %mul3A_84 = arith.mulf %sub3A_83, %convert_element_type3A_6 : vector<32x512xf32>
    %slice3A = vector.extract_strided_slice %mul3A_64 {offsets = [0, 0], sizes = [8, 512], strides = [1, 1]} : vector<32x512xf32> to vector<8x512xf32>
    %slice3A_85 = vector.extract_strided_slice %mul3A_65 {offsets = [0, 0], sizes = [8, 512], strides = [1, 1]} : vector<32x512xf32> to vector<8x512xf32>
    %slice3A_86 = vector.extract_strided_slice %mul3A_66 {offsets = [0, 0], sizes = [8, 512], strides = [1, 1]} : vector<32x512xf32> to vector<8x512xf32>
    %slice3A_87 = vector.extract_strided_slice %mul3A_67 {offsets = [0, 0], sizes = [8, 512], strides = [1, 1]} : vector<32x512xf32> to vector<8x512xf32>
    %slice3A_88 = vector.extract_strided_slice %mul3A_69 {offsets = [0, 0], sizes = [8, 512], strides = [1, 1]} : vector<32x512xf32> to vector<8x512xf32>
    %slice3A_89 = vector.extract_strided_slice %mul3A_72 {offsets = [0, 0], sizes = [8, 512], strides = [1, 1]} : vector<32x512xf32> to vector<8x512xf32>
    %slice3A_90 = vector.extract_strided_slice %mul3A_75 {offsets = [0, 0], sizes = [8, 512], strides = [1, 1]} : vector<32x512xf32> to vector<8x512xf32>
    %slice3A_91 = vector.extract_strided_slice %mul3A_78 {offsets = [0, 0], sizes = [8, 512], strides = [1, 1]} : vector<32x512xf32> to vector<8x512xf32>
    %slice3A_92 = vector.extract_strided_slice %mul3A_81 {offsets = [0, 0], sizes = [8, 512], strides = [1, 1]} : vector<32x512xf32> to vector<8x512xf32>
    %slice3A_93 = vector.extract_strided_slice %mul3A_84 {offsets = [0, 0], sizes = [8, 512], strides = [1, 1]} : vector<32x512xf32> to vector<8x512xf32>
    %concatenate3A = tpu.concatenate %slice3A, %slice3A_85, %slice3A_86, %slice3A_87, %slice3A_88, %slice3A_89, %slice3A_90, %slice3A_91, %slice3A_92, %slice3A_93 in 0 : vector<8x512xf32>, vector<8x512xf32>, vector<8x512xf32>, vector<8x512xf32>, vector<8x512xf32>, vector<8x512xf32>, vector<8x512xf32>, vector<8x512xf32>, vector<8x512xf32>, vector<8x512xf32> -> vector<80x512xf32>
    %get3A_94 = arith.constant 0 : index
    %get3A_95 = arith.constant 0 : index
    %get3A_96 = vector.load %arg4[%get3A_94, %get3A_95] : memref<80x512xf32, #tpu.memory_space<vmem>>, vector<80x512xf32>
    %dot_general3A = arith.constant dense<0.000000e+00> : vector<512x512xf32>
    %dot_general3A_97 = tpu.matmul %concatenate3A, %get3A_96, %dot_general3A {dimension_numbers = #tpu.dot_dimension_numbers<[0], [0], [1], [1], [0, 1, 1, 1], [], []>, transpose_lhs_hint = false} : vector<80x512xf32>, vector<80x512xf32>, vector<512x512xf32> -> vector<512x512xf32>
    %slice3A_98 = vector.extract_strided_slice %dot_general3A_97 {offsets = [0, 0], sizes = [512, 64], strides = [1, 1]} : vector<512x512xf32> to vector<512x64xf32>
    %mul3A_99 = arith.mulf %slice3A_98, %slice3A_98 : vector<512x64xf32>
    %slice3A_100 = vector.extract_strided_slice %dot_general3A_97 {offsets = [0, 64], sizes = [512, 64], strides = [1, 1]} : vector<512x512xf32> to vector<512x64xf32>
    %max3A_101 = arith.maximumf %slice3A_98, %slice3A_100 : vector<512x64xf32>
    %add3A_102 = arith.addf %slice3A_98, %slice3A_100 : vector<512x64xf32>
    %mul3A_103 = arith.mulf %slice3A_100, %slice3A_100 : vector<512x64xf32>
    %add3A_104 = arith.addf %mul3A_99, %mul3A_103 : vector<512x64xf32>
    %slice3A_105 = vector.extract_strided_slice %dot_general3A_97 {offsets = [0, 128], sizes = [512, 64], strides = [1, 1]} : vector<512x512xf32> to vector<512x64xf32>
    %max3A_106 = arith.maximumf %max3A_101, %slice3A_105 : vector<512x64xf32>
    %add3A_107 = arith.addf %add3A_102, %slice3A_105 : vector<512x64xf32>
    %mul3A_108 = arith.mulf %slice3A_105, %slice3A_105 : vector<512x64xf32>
    %add3A_109 = arith.addf %add3A_104, %mul3A_108 : vector<512x64xf32>
    %slice3A_110 = vector.extract_strided_slice %dot_general3A_97 {offsets = [0, 192], sizes = [512, 64], strides = [1, 1]} : vector<512x512xf32> to vector<512x64xf32>
    %max3A_111 = arith.maximumf %max3A_106, %slice3A_110 : vector<512x64xf32>
    %add3A_112 = arith.addf %add3A_107, %slice3A_110 : vector<512x64xf32>
    %mul3A_113 = arith.mulf %slice3A_110, %slice3A_110 : vector<512x64xf32>
    %add3A_114 = arith.addf %add3A_109, %mul3A_113 : vector<512x64xf32>
    %slice3A_115 = vector.extract_strided_slice %dot_general3A_97 {offsets = [0, 256], sizes = [512, 64], strides = [1, 1]} : vector<512x512xf32> to vector<512x64xf32>
    %max3A_116 = arith.maximumf %max3A_111, %slice3A_115 : vector<512x64xf32>
    %add3A_117 = arith.addf %add3A_112, %slice3A_115 : vector<512x64xf32>
    %mul3A_118 = arith.mulf %slice3A_115, %slice3A_115 : vector<512x64xf32>
    %add3A_119 = arith.addf %add3A_114, %mul3A_118 : vector<512x64xf32>
    %slice3A_120 = vector.extract_strided_slice %dot_general3A_97 {offsets = [0, 320], sizes = [512, 64], strides = [1, 1]} : vector<512x512xf32> to vector<512x64xf32>
    %max3A_121 = arith.maximumf %max3A_116, %slice3A_120 : vector<512x64xf32>
    %add3A_122 = arith.addf %add3A_117, %slice3A_120 : vector<512x64xf32>
    %mul3A_123 = arith.mulf %slice3A_120, %slice3A_120 : vector<512x64xf32>
    %add3A_124 = arith.addf %add3A_119, %mul3A_123 : vector<512x64xf32>
    %slice3A_125 = vector.extract_strided_slice %dot_general3A_97 {offsets = [0, 384], sizes = [512, 64], strides = [1, 1]} : vector<512x512xf32> to vector<512x64xf32>
    %max3A_126 = arith.maximumf %max3A_121, %slice3A_125 : vector<512x64xf32>
    %add3A_127 = arith.addf %add3A_122, %slice3A_125 : vector<512x64xf32>
    %mul3A_128 = arith.mulf %slice3A_125, %slice3A_125 : vector<512x64xf32>
    %add3A_129 = arith.addf %add3A_124, %mul3A_128 : vector<512x64xf32>
    %slice3A_130 = vector.extract_strided_slice %dot_general3A_97 {offsets = [0, 448], sizes = [512, 64], strides = [1, 1]} : vector<512x512xf32> to vector<512x64xf32>
    %max3A_131 = arith.maximumf %max3A_126, %slice3A_130 : vector<512x64xf32>
    %add3A_132 = arith.addf %add3A_127, %slice3A_130 : vector<512x64xf32>
    %mul3A_133 = arith.mulf %slice3A_130, %slice3A_130 : vector<512x64xf32>
    %add3A_134 = arith.addf %add3A_129, %mul3A_133 : vector<512x64xf32>
    %slice3A_135 = vector.extract_strided_slice %mul3A_64 {offsets = [8, 0], sizes = [8, 512], strides = [1, 1]} : vector<32x512xf32> to vector<8x512xf32>
    %slice3A_136 = vector.extract_strided_slice %mul3A_65 {offsets = [8, 0], sizes = [8, 512], strides = [1, 1]} : vector<32x512xf32> to vector<8x512xf32>
    %slice3A_137 = vector.extract_strided_slice %mul3A_66 {offsets = [8, 0], sizes = [8, 512], strides = [1, 1]} : vector<32x512xf32> to vector<8x512xf32>
    %slice3A_138 = vector.extract_strided_slice %mul3A_67 {offsets = [8, 0], sizes = [8, 512], strides = [1, 1]} : vector<32x512xf32> to vector<8x512xf32>
    %slice3A_139 = vector.extract_strided_slice %mul3A_69 {offsets = [8, 0], sizes = [8, 512], strides = [1, 1]} : vector<32x512xf32> to vector<8x512xf32>
    %slice3A_140 = vector.extract_strided_slice %mul3A_72 {offsets = [8, 0], sizes = [8, 512], strides = [1, 1]} : vector<32x512xf32> to vector<8x512xf32>
    %slice3A_141 = vector.extract_strided_slice %mul3A_75 {offsets = [8, 0], sizes = [8, 512], strides = [1, 1]} : vector<32x512xf32> to vector<8x512xf32>
    %slice3A_142 = vector.extract_strided_slice %mul3A_78 {offsets = [8, 0], sizes = [8, 512], strides = [1, 1]} : vector<32x512xf32> to vector<8x512xf32>
    %slice3A_143 = vector.extract_strided_slice %mul3A_81 {offsets = [8, 0], sizes = [8, 512], strides = [1, 1]} : vector<32x512xf32> to vector<8x512xf32>
    %slice3A_144 = vector.extract_strided_slice %mul3A_84 {offsets = [8, 0], sizes = [8, 512], strides = [1, 1]} : vector<32x512xf32> to vector<8x512xf32>
    %concatenate3A_145 = tpu.concatenate %slice3A_135, %slice3A_136, %slice3A_137, %slice3A_138, %slice3A_139, %slice3A_140, %slice3A_141, %slice3A_142, %slice3A_143, %slice3A_144 in 0 : vector<8x512xf32>, vector<8x512xf32>, vector<8x512xf32>, vector<8x512xf32>, vector<8x512xf32>, vector<8x512xf32>, vector<8x512xf32>, vector<8x512xf32>, vector<8x512xf32>, vector<8x512xf32> -> vector<80x512xf32>
    %get3A_146 = arith.constant 0 : index
    %get3A_147 = arith.constant 0 : index
    %get3A_148 = vector.load %arg4[%get3A_146, %get3A_147] : memref<80x512xf32, #tpu.memory_space<vmem>>, vector<80x512xf32>
    %dot_general3A_149 = arith.constant dense<0.000000e+00> : vector<512x512xf32>
    %dot_general3A_150 = tpu.matmul %concatenate3A_145, %get3A_148, %dot_general3A_149 {dimension_numbers = #tpu.dot_dimension_numbers<[0], [0], [1], [1], [0, 1, 1, 1], [], []>, transpose_lhs_hint = false} : vector<80x512xf32>, vector<80x512xf32>, vector<512x512xf32> -> vector<512x512xf32>
    %slice3A_151 = vector.extract_strided_slice %dot_general3A_150 {offsets = [0, 0], sizes = [512, 64], strides = [1, 1]} : vector<512x512xf32> to vector<512x64xf32>
    %max3A_152 = arith.maximumf %max3A_131, %slice3A_151 : vector<512x64xf32>
    %add3A_153 = arith.addf %add3A_132, %slice3A_151 : vector<512x64xf32>
    %mul3A_154 = arith.mulf %slice3A_151, %slice3A_151 : vector<512x64xf32>
    %add3A_155 = arith.addf %add3A_134, %mul3A_154 : vector<512x64xf32>
    %slice3A_156 = vector.extract_strided_slice %dot_general3A_150 {offsets = [0, 64], sizes = [512, 64], strides = [1, 1]} : vector<512x512xf32> to vector<512x64xf32>
    %max3A_157 = arith.maximumf %max3A_152, %slice3A_156 : vector<512x64xf32>
    %add3A_158 = arith.addf %add3A_153, %slice3A_156 : vector<512x64xf32>
    %mul3A_159 = arith.mulf %slice3A_156, %slice3A_156 : vector<512x64xf32>
    %add3A_160 = arith.addf %add3A_155, %mul3A_159 : vector<512x64xf32>
    %slice3A_161 = vector.extract_strided_slice %dot_general3A_150 {offsets = [0, 128], sizes = [512, 64], strides = [1, 1]} : vector<512x512xf32> to vector<512x64xf32>
    %max3A_162 = arith.maximumf %max3A_157, %slice3A_161 : vector<512x64xf32>
    %add3A_163 = arith.addf %add3A_158, %slice3A_161 : vector<512x64xf32>
    %mul3A_164 = arith.mulf %slice3A_161, %slice3A_161 : vector<512x64xf32>
    %add3A_165 = arith.addf %add3A_160, %mul3A_164 : vector<512x64xf32>
    %slice3A_166 = vector.extract_strided_slice %dot_general3A_150 {offsets = [0, 192], sizes = [512, 64], strides = [1, 1]} : vector<512x512xf32> to vector<512x64xf32>
    %max3A_167 = arith.maximumf %max3A_162, %slice3A_166 : vector<512x64xf32>
    %add3A_168 = arith.addf %add3A_163, %slice3A_166 : vector<512x64xf32>
    %mul3A_169 = arith.mulf %slice3A_166, %slice3A_166 : vector<512x64xf32>
    %add3A_170 = arith.addf %add3A_165, %mul3A_169 : vector<512x64xf32>
    %slice3A_171 = vector.extract_strided_slice %dot_general3A_150 {offsets = [0, 256], sizes = [512, 64], strides = [1, 1]} : vector<512x512xf32> to vector<512x64xf32>
    %max3A_172 = arith.maximumf %max3A_167, %slice3A_171 : vector<512x64xf32>
    %add3A_173 = arith.addf %add3A_168, %slice3A_171 : vector<512x64xf32>
    %mul3A_174 = arith.mulf %slice3A_171, %slice3A_171 : vector<512x64xf32>
    %add3A_175 = arith.addf %add3A_170, %mul3A_174 : vector<512x64xf32>
    %slice3A_176 = vector.extract_strided_slice %dot_general3A_150 {offsets = [0, 320], sizes = [512, 64], strides = [1, 1]} : vector<512x512xf32> to vector<512x64xf32>
    %max3A_177 = arith.maximumf %max3A_172, %slice3A_176 : vector<512x64xf32>
    %add3A_178 = arith.addf %add3A_173, %slice3A_176 : vector<512x64xf32>
    %mul3A_179 = arith.mulf %slice3A_176, %slice3A_176 : vector<512x64xf32>
    %add3A_180 = arith.addf %add3A_175, %mul3A_179 : vector<512x64xf32>
    %slice3A_181 = vector.extract_strided_slice %dot_general3A_150 {offsets = [0, 384], sizes = [512, 64], strides = [1, 1]} : vector<512x512xf32> to vector<512x64xf32>
    %max3A_182 = arith.maximumf %max3A_177, %slice3A_181 : vector<512x64xf32>
    %add3A_183 = arith.addf %add3A_178, %slice3A_181 : vector<512x64xf32>
    %mul3A_184 = arith.mulf %slice3A_181, %slice3A_181 : vector<512x64xf32>
    %add3A_185 = arith.addf %add3A_180, %mul3A_184 : vector<512x64xf32>
    %slice3A_186 = vector.extract_strided_slice %dot_general3A_150 {offsets = [0, 448], sizes = [512, 64], strides = [1, 1]} : vector<512x512xf32> to vector<512x64xf32>
    %max3A_187 = arith.maximumf %max3A_182, %slice3A_186 : vector<512x64xf32>
    %add3A_188 = arith.addf %add3A_183, %slice3A_186 : vector<512x64xf32>
    %mul3A_189 = arith.mulf %slice3A_186, %slice3A_186 : vector<512x64xf32>
    %add3A_190 = arith.addf %add3A_185, %mul3A_189 : vector<512x64xf32>
    %slice3A_191 = vector.extract_strided_slice %mul3A_64 {offsets = [16, 0], sizes = [8, 512], strides = [1, 1]} : vector<32x512xf32> to vector<8x512xf32>
    %slice3A_192 = vector.extract_strided_slice %mul3A_65 {offsets = [16, 0], sizes = [8, 512], strides = [1, 1]} : vector<32x512xf32> to vector<8x512xf32>
    %slice3A_193 = vector.extract_strided_slice %mul3A_66 {offsets = [16, 0], sizes = [8, 512], strides = [1, 1]} : vector<32x512xf32> to vector<8x512xf32>
    %slice3A_194 = vector.extract_strided_slice %mul3A_67 {offsets = [16, 0], sizes = [8, 512], strides = [1, 1]} : vector<32x512xf32> to vector<8x512xf32>
    %slice3A_195 = vector.extract_strided_slice %mul3A_69 {offsets = [16, 0], sizes = [8, 512], strides = [1, 1]} : vector<32x512xf32> to vector<8x512xf32>
    %slice3A_196 = vector.extract_strided_slice %mul3A_72 {offsets = [16, 0], sizes = [8, 512], strides = [1, 1]} : vector<32x512xf32> to vector<8x512xf32>
    %slice3A_197 = vector.extract_strided_slice %mul3A_75 {offsets = [16, 0], sizes = [8, 512], strides = [1, 1]} : vector<32x512xf32> to vector<8x512xf32>
    %slice3A_198 = vector.extract_strided_slice %mul3A_78 {offsets = [16, 0], sizes = [8, 512], strides = [1, 1]} : vector<32x512xf32> to vector<8x512xf32>
    %slice3A_199 = vector.extract_strided_slice %mul3A_81 {offsets = [16, 0], sizes = [8, 512], strides = [1, 1]} : vector<32x512xf32> to vector<8x512xf32>
    %slice3A_200 = vector.extract_strided_slice %mul3A_84 {offsets = [16, 0], sizes = [8, 512], strides = [1, 1]} : vector<32x512xf32> to vector<8x512xf32>
    %concatenate3A_201 = tpu.concatenate %slice3A_191, %slice3A_192, %slice3A_193, %slice3A_194, %slice3A_195, %slice3A_196, %slice3A_197, %slice3A_198, %slice3A_199, %slice3A_200 in 0 : vector<8x512xf32>, vector<8x512xf32>, vector<8x512xf32>, vector<8x512xf32>, vector<8x512xf32>, vector<8x512xf32>, vector<8x512xf32>, vector<8x512xf32>, vector<8x512xf32>, vector<8x512xf32> -> vector<80x512xf32>
    %get3A_202 = arith.constant 0 : index
    %get3A_203 = arith.constant 0 : index
    %get3A_204 = vector.load %arg4[%get3A_202, %get3A_203] : memref<80x512xf32, #tpu.memory_space<vmem>>, vector<80x512xf32>
    %dot_general3A_205 = arith.constant dense<0.000000e+00> : vector<512x512xf32>
    %dot_general3A_206 = tpu.matmul %concatenate3A_201, %get3A_204, %dot_general3A_205 {dimension_numbers = #tpu.dot_dimension_numbers<[0], [0], [1], [1], [0, 1, 1, 1], [], []>, transpose_lhs_hint = false} : vector<80x512xf32>, vector<80x512xf32>, vector<512x512xf32> -> vector<512x512xf32>
    %slice3A_207 = vector.extract_strided_slice %dot_general3A_206 {offsets = [0, 0], sizes = [512, 64], strides = [1, 1]} : vector<512x512xf32> to vector<512x64xf32>
    %max3A_208 = arith.maximumf %max3A_187, %slice3A_207 : vector<512x64xf32>
    %add3A_209 = arith.addf %add3A_188, %slice3A_207 : vector<512x64xf32>
    %mul3A_210 = arith.mulf %slice3A_207, %slice3A_207 : vector<512x64xf32>
    %add3A_211 = arith.addf %add3A_190, %mul3A_210 : vector<512x64xf32>
    %slice3A_212 = vector.extract_strided_slice %dot_general3A_206 {offsets = [0, 64], sizes = [512, 64], strides = [1, 1]} : vector<512x512xf32> to vector<512x64xf32>
    %max3A_213 = arith.maximumf %max3A_208, %slice3A_212 : vector<512x64xf32>
    %add3A_214 = arith.addf %add3A_209, %slice3A_212 : vector<512x64xf32>
    %mul3A_215 = arith.mulf %slice3A_212, %slice3A_212 : vector<512x64xf32>
    %add3A_216 = arith.addf %add3A_211, %mul3A_215 : vector<512x64xf32>
    %slice3A_217 = vector.extract_strided_slice %dot_general3A_206 {offsets = [0, 128], sizes = [512, 64], strides = [1, 1]} : vector<512x512xf32> to vector<512x64xf32>
    %max3A_218 = arith.maximumf %max3A_213, %slice3A_217 : vector<512x64xf32>
    %add3A_219 = arith.addf %add3A_214, %slice3A_217 : vector<512x64xf32>
    %mul3A_220 = arith.mulf %slice3A_217, %slice3A_217 : vector<512x64xf32>
    %add3A_221 = arith.addf %add3A_216, %mul3A_220 : vector<512x64xf32>
    %slice3A_222 = vector.extract_strided_slice %dot_general3A_206 {offsets = [0, 192], sizes = [512, 64], strides = [1, 1]} : vector<512x512xf32> to vector<512x64xf32>
    %max3A_223 = arith.maximumf %max3A_218, %slice3A_222 : vector<512x64xf32>
    %add3A_224 = arith.addf %add3A_219, %slice3A_222 : vector<512x64xf32>
    %mul3A_225 = arith.mulf %slice3A_222, %slice3A_222 : vector<512x64xf32>
    %add3A_226 = arith.addf %add3A_221, %mul3A_225 : vector<512x64xf32>
    %slice3A_227 = vector.extract_strided_slice %dot_general3A_206 {offsets = [0, 256], sizes = [512, 64], strides = [1, 1]} : vector<512x512xf32> to vector<512x64xf32>
    %max3A_228 = arith.maximumf %max3A_223, %slice3A_227 : vector<512x64xf32>
    %add3A_229 = arith.addf %add3A_224, %slice3A_227 : vector<512x64xf32>
    %mul3A_230 = arith.mulf %slice3A_227, %slice3A_227 : vector<512x64xf32>
    %add3A_231 = arith.addf %add3A_226, %mul3A_230 : vector<512x64xf32>
    %slice3A_232 = vector.extract_strided_slice %dot_general3A_206 {offsets = [0, 320], sizes = [512, 64], strides = [1, 1]} : vector<512x512xf32> to vector<512x64xf32>
    %max3A_233 = arith.maximumf %max3A_228, %slice3A_232 : vector<512x64xf32>
    %add3A_234 = arith.addf %add3A_229, %slice3A_232 : vector<512x64xf32>
    %mul3A_235 = arith.mulf %slice3A_232, %slice3A_232 : vector<512x64xf32>
    %add3A_236 = arith.addf %add3A_231, %mul3A_235 : vector<512x64xf32>
    %slice3A_237 = vector.extract_strided_slice %dot_general3A_206 {offsets = [0, 384], sizes = [512, 64], strides = [1, 1]} : vector<512x512xf32> to vector<512x64xf32>
    %max3A_238 = arith.maximumf %max3A_233, %slice3A_237 : vector<512x64xf32>
    %add3A_239 = arith.addf %add3A_234, %slice3A_237 : vector<512x64xf32>
    %mul3A_240 = arith.mulf %slice3A_237, %slice3A_237 : vector<512x64xf32>
    %add3A_241 = arith.addf %add3A_236, %mul3A_240 : vector<512x64xf32>
    %slice3A_242 = vector.extract_strided_slice %dot_general3A_206 {offsets = [0, 448], sizes = [512, 64], strides = [1, 1]} : vector<512x512xf32> to vector<512x64xf32>
    %max3A_243 = arith.maximumf %max3A_238, %slice3A_242 : vector<512x64xf32>
    %add3A_244 = arith.addf %add3A_239, %slice3A_242 : vector<512x64xf32>
    %mul3A_245 = arith.mulf %slice3A_242, %slice3A_242 : vector<512x64xf32>
    %add3A_246 = arith.addf %add3A_241, %mul3A_245 : vector<512x64xf32>
    %slice3A_247 = vector.extract_strided_slice %mul3A_64 {offsets = [24, 0], sizes = [8, 512], strides = [1, 1]} : vector<32x512xf32> to vector<8x512xf32>
    %slice3A_248 = vector.extract_strided_slice %mul3A_65 {offsets = [24, 0], sizes = [8, 512], strides = [1, 1]} : vector<32x512xf32> to vector<8x512xf32>
    %slice3A_249 = vector.extract_strided_slice %mul3A_66 {offsets = [24, 0], sizes = [8, 512], strides = [1, 1]} : vector<32x512xf32> to vector<8x512xf32>
    %slice3A_250 = vector.extract_strided_slice %mul3A_67 {offsets = [24, 0], sizes = [8, 512], strides = [1, 1]} : vector<32x512xf32> to vector<8x512xf32>
    %slice3A_251 = vector.extract_strided_slice %mul3A_69 {offsets = [24, 0], sizes = [8, 512], strides = [1, 1]} : vector<32x512xf32> to vector<8x512xf32>
    %slice3A_252 = vector.extract_strided_slice %mul3A_72 {offsets = [24, 0], sizes = [8, 512], strides = [1, 1]} : vector<32x512xf32> to vector<8x512xf32>
    %slice3A_253 = vector.extract_strided_slice %mul3A_75 {offsets = [24, 0], sizes = [8, 512], strides = [1, 1]} : vector<32x512xf32> to vector<8x512xf32>
    %slice3A_254 = vector.extract_strided_slice %mul3A_78 {offsets = [24, 0], sizes = [8, 512], strides = [1, 1]} : vector<32x512xf32> to vector<8x512xf32>
    %slice3A_255 = vector.extract_strided_slice %mul3A_81 {offsets = [24, 0], sizes = [8, 512], strides = [1, 1]} : vector<32x512xf32> to vector<8x512xf32>
    %slice3A_256 = vector.extract_strided_slice %mul3A_84 {offsets = [24, 0], sizes = [8, 512], strides = [1, 1]} : vector<32x512xf32> to vector<8x512xf32>
    %concatenate3A_257 = tpu.concatenate %slice3A_247, %slice3A_248, %slice3A_249, %slice3A_250, %slice3A_251, %slice3A_252, %slice3A_253, %slice3A_254, %slice3A_255, %slice3A_256 in 0 : vector<8x512xf32>, vector<8x512xf32>, vector<8x512xf32>, vector<8x512xf32>, vector<8x512xf32>, vector<8x512xf32>, vector<8x512xf32>, vector<8x512xf32>, vector<8x512xf32>, vector<8x512xf32> -> vector<80x512xf32>
    %get3A_258 = arith.constant 0 : index
    %get3A_259 = arith.constant 0 : index
    %get3A_260 = vector.load %arg4[%get3A_258, %get3A_259] : memref<80x512xf32, #tpu.memory_space<vmem>>, vector<80x512xf32>
    %dot_general3A_261 = arith.constant dense<0.000000e+00> : vector<512x512xf32>
    %dot_general3A_262 = tpu.matmul %concatenate3A_257, %get3A_260, %dot_general3A_261 {dimension_numbers = #tpu.dot_dimension_numbers<[0], [0], [1], [1], [0, 1, 1, 1], [], []>, transpose_lhs_hint = false} : vector<80x512xf32>, vector<80x512xf32>, vector<512x512xf32> -> vector<512x512xf32>
    %slice3A_263 = vector.extract_strided_slice %dot_general3A_262 {offsets = [0, 0], sizes = [512, 64], strides = [1, 1]} : vector<512x512xf32> to vector<512x64xf32>
    %max3A_264 = arith.maximumf %max3A_243, %slice3A_263 : vector<512x64xf32>
    %add3A_265 = arith.addf %add3A_244, %slice3A_263 : vector<512x64xf32>
    %mul3A_266 = arith.mulf %slice3A_263, %slice3A_263 : vector<512x64xf32>
    %add3A_267 = arith.addf %add3A_246, %mul3A_266 : vector<512x64xf32>
    %slice3A_268 = vector.extract_strided_slice %dot_general3A_262 {offsets = [0, 64], sizes = [512, 64], strides = [1, 1]} : vector<512x512xf32> to vector<512x64xf32>
    %max3A_269 = arith.maximumf %max3A_264, %slice3A_268 : vector<512x64xf32>
    %add3A_270 = arith.addf %add3A_265, %slice3A_268 : vector<512x64xf32>
    %mul3A_271 = arith.mulf %slice3A_268, %slice3A_268 : vector<512x64xf32>
    %add3A_272 = arith.addf %add3A_267, %mul3A_271 : vector<512x64xf32>
    %slice3A_273 = vector.extract_strided_slice %dot_general3A_262 {offsets = [0, 128], sizes = [512, 64], strides = [1, 1]} : vector<512x512xf32> to vector<512x64xf32>
    %max3A_274 = arith.maximumf %max3A_269, %slice3A_273 : vector<512x64xf32>
    %add3A_275 = arith.addf %add3A_270, %slice3A_273 : vector<512x64xf32>
    %mul3A_276 = arith.mulf %slice3A_273, %slice3A_273 : vector<512x64xf32>
    %add3A_277 = arith.addf %add3A_272, %mul3A_276 : vector<512x64xf32>
    %slice3A_278 = vector.extract_strided_slice %dot_general3A_262 {offsets = [0, 192], sizes = [512, 64], strides = [1, 1]} : vector<512x512xf32> to vector<512x64xf32>
    %max3A_279 = arith.maximumf %max3A_274, %slice3A_278 : vector<512x64xf32>
    %add3A_280 = arith.addf %add3A_275, %slice3A_278 : vector<512x64xf32>
    %mul3A_281 = arith.mulf %slice3A_278, %slice3A_278 : vector<512x64xf32>
    %add3A_282 = arith.addf %add3A_277, %mul3A_281 : vector<512x64xf32>
    %slice3A_283 = vector.extract_strided_slice %dot_general3A_262 {offsets = [0, 256], sizes = [512, 64], strides = [1, 1]} : vector<512x512xf32> to vector<512x64xf32>
    %max3A_284 = arith.maximumf %max3A_279, %slice3A_283 : vector<512x64xf32>
    %add3A_285 = arith.addf %add3A_280, %slice3A_283 : vector<512x64xf32>
    %mul3A_286 = arith.mulf %slice3A_283, %slice3A_283 : vector<512x64xf32>
    %add3A_287 = arith.addf %add3A_282, %mul3A_286 : vector<512x64xf32>
    %slice3A_288 = vector.extract_strided_slice %dot_general3A_262 {offsets = [0, 320], sizes = [512, 64], strides = [1, 1]} : vector<512x512xf32> to vector<512x64xf32>
    %max3A_289 = arith.maximumf %max3A_284, %slice3A_288 : vector<512x64xf32>
    %add3A_290 = arith.addf %add3A_285, %slice3A_288 : vector<512x64xf32>
    %mul3A_291 = arith.mulf %slice3A_288, %slice3A_288 : vector<512x64xf32>
    %add3A_292 = arith.addf %add3A_287, %mul3A_291 : vector<512x64xf32>
    %slice3A_293 = vector.extract_strided_slice %dot_general3A_262 {offsets = [0, 384], sizes = [512, 64], strides = [1, 1]} : vector<512x512xf32> to vector<512x64xf32>
    %max3A_294 = arith.maximumf %max3A_289, %slice3A_293 : vector<512x64xf32>
    %add3A_295 = arith.addf %add3A_290, %slice3A_293 : vector<512x64xf32>
    %mul3A_296 = arith.mulf %slice3A_293, %slice3A_293 : vector<512x64xf32>
    %add3A_297 = arith.addf %add3A_292, %mul3A_296 : vector<512x64xf32>
    %slice3A_298 = vector.extract_strided_slice %dot_general3A_262 {offsets = [0, 448], sizes = [512, 64], strides = [1, 1]} : vector<512x512xf32> to vector<512x64xf32>
    %max3A_299 = arith.maximumf %max3A_294, %slice3A_298 : vector<512x64xf32>
    %add3A_300 = arith.addf %add3A_295, %slice3A_298 : vector<512x64xf32>
    %mul3A_301 = arith.mulf %slice3A_298, %slice3A_298 : vector<512x64xf32>
    %add3A_302 = arith.addf %add3A_297, %mul3A_301 : vector<512x64xf32>
    %swap3A = arith.constant 0 : index
    %swap3A_303 = arith.constant 0 : index
    %swap3A_304 = vector.load %arg5[%swap3A, %swap3A_303] : memref<512x64xf32, #tpu.memory_space<vmem>>, vector<512x64xf32>
    tpu.vector_store %arg5[%swap3A, %swap3A_303], %max3A_299 {strides = array<i32>} : memref<512x64xf32, #tpu.memory_space<vmem>>, vector<512x64xf32>,
    %reduce_sum3A_305 = arith.constant dense<0.000000e+00> : vector<64xf32>
    %reduce_sum3A_306 = vector.multi_reduction <add>, %add3A_300, %reduce_sum3A_305 [0] : vector<512x64xf32> to vector<64xf32>
    %broadcast_in_dim3A_307 = vector.shape_cast %reduce_sum3A_306 : vector<64xf32> to vector<1x64xf32>
    %reduce_sum3A_308 = arith.constant dense<0.000000e+00> : vector<64xf32>
    %reduce_sum3A_309 = vector.multi_reduction <add>, %add3A_302, %reduce_sum3A_308 [0] : vector<512x64xf32> to vector<64xf32>
    %broadcast_in_dim3A_310 = vector.shape_cast %reduce_sum3A_309 : vector<64xf32> to vector<1x64xf32>
    %eq3A = arith.constant 0 : i32
    %eq3A_311 = arith.cmpi eq, %arg0, %eq3A : i32
    %convert_element_type3A_312 = arith.extui %eq3A_311 : i1 to i32
    %cond3A = arith.constant 0 : i32
    %cond3A_313 = arith.cmpi ne, %convert_element_type3A_312, %cond3A : i32
    scf.if %cond3A_313 {
      %broadcast_in_dim3A_362 = arith.constant 0.000000e+00 : f32
      %broadcast_in_dim3A_363 = vector.broadcast %broadcast_in_dim3A_362 : f32 to vector<8x128xf32>
      %swap3A_364 = arith.constant 0 : index
      %swap3A_365 = arith.constant 0 : index
      %swap3A_366 = vector.load %arg9[%swap3A_364, %swap3A_365] : memref<8x128xf32, #tpu.memory_space<vmem>>, vector<8x128xf32>
      tpu.vector_store %arg9[%swap3A_364, %swap3A_365], %broadcast_in_dim3A_363 {strides = array<i32>} : memref<8x128xf32, #tpu.memory_space<vmem>>, vector<8x128xf32>,
    } else {
    }
    %get3A_314 = arith.constant 0 : index
    %get3A_315 = arith.constant 0 : index
    %get3A_316 = vector.load %arg9[%get3A_314, %get3A_315] : memref<8x128xf32, #tpu.memory_space<vmem>>, vector<1x64xf32>
    %add3A_317 = arith.addf %get3A_316, %broadcast_in_dim3A_307 : vector<1x64xf32>
    %swap3A_318 = arith.constant 0 : index
    %swap3A_319 = arith.constant 0 : index
    %swap3A_320 = vector.load %arg9[%swap3A_318, %swap3A_319] : memref<8x128xf32, #tpu.memory_space<vmem>>, vector<1x64xf32>
    tpu.vector_store %arg9[%swap3A_318, %swap3A_319], %add3A_317 {strides = array<i32>} : memref<8x128xf32, #tpu.memory_space<vmem>>, vector<1x64xf32>,
    %get3A_321 = arith.constant 1 : index
    %get3A_322 = arith.constant 0 : index
    %get3A_323 = vector.load %arg9[%get3A_321, %get3A_322] : memref<8x128xf32, #tpu.memory_space<vmem>>, vector<1x64xf32>
    %add3A_324 = arith.addf %get3A_323, %broadcast_in_dim3A_310 : vector<1x64xf32>
    %swap3A_325 = arith.constant 1 : index
    %swap3A_326 = arith.constant 0 : index
    %swap3A_327 = vector.load %arg9[%swap3A_325, %swap3A_326] : memref<8x128xf32, #tpu.memory_space<vmem>>, vector<1x64xf32>
    tpu.vector_store %arg9[%swap3A_325, %swap3A_326], %add3A_324 {strides = array<i32>} : memref<8x128xf32, #tpu.memory_space<vmem>>, vector<1x64xf32>,
    %eq3A_328 = arith.constant 79 : i32
    %eq3A_329 = arith.cmpi eq, %arg0, %eq3A_328 : i32
    %convert_element_type3A_330 = arith.extui %eq3A_329 : i1 to i32
    %cond3A_331 = arith.constant 0 : i32
    %cond3A_332 = arith.cmpi ne, %convert_element_type3A_330, %cond3A_331 : i32
    scf.if %cond3A_332 {
      %get3A_362 = arith.constant 0 : index
      %get3A_363 = arith.constant 0 : index
      %get3A_364 = vector.load %arg9[%get3A_362, %get3A_363] : memref<8x128xf32, #tpu.memory_space<vmem>>, vector<8x128xf32>
      %swap3A_365 = arith.constant 0 : index
      %swap3A_366 = arith.constant 0 : index
      %swap3A_367 = vector.load %arg7[%swap3A_365, %swap3A_366] : memref<8x128xf32, #tpu.memory_space<vmem>>, vector<8x128xf32>
      tpu.vector_store %arg7[%swap3A_365, %swap3A_366], %get3A_364 {strides = array<i32>} : memref<8x128xf32, #tpu.memory_space<vmem>>, vector<8x128xf32>,
    } else {
    }
    %get3A_333 = arith.constant 0 : index
    %get3A_334 = arith.constant 0 : index
    %get3A_335 = vector.load %arg2[%get3A_333, %get3A_334] : memref<4x512xf32, #tpu.memory_space<vmem>>, vector<1x512xf32>
    %mul3A_336 = arith.constant 4.960000e+02 : f32
    %mul3A_337 = vector.broadcast %mul3A_336 : f32 to vector<1x512xf32>
    %mul3A_338 = arith.mulf %get3A_335, %mul3A_337 : vector<1x512xf32>
    %get3A_339 = arith.constant 2 : index
    %get3A_340 = arith.constant 0 : index
    %get3A_341 = vector.load %arg2[%get3A_339, %get3A_340] : memref<4x512xf32, #tpu.memory_space<vmem>>, vector<1x512xf32>
    %add3A_342 = arith.addf %mul3A_338, %get3A_341 : vector<1x512xf32>
    %mul3A_343 = arith.constant 4.320000e+02 : f32
    %mul3A_344 = vector.broadcast %mul3A_343 : f32 to vector<1x512xf32>
    %mul3A_345 = arith.mulf %add3A_342, %mul3A_344 : vector<1x512xf32>
    %get3A_346 = arith.constant 3 : index
    %get3A_347 = arith.constant 0 : index
    %get3A_348 = vector.load %arg2[%get3A_346, %get3A_347] : memref<4x512xf32, #tpu.memory_space<vmem>>, vector<1x512xf32>
    %add3A_349 = arith.addf %mul3A_345, %get3A_348 : vector<1x512xf32>
    %gt3A = arith.constant 0.000000e+00 : f32
    %gt3A_350 = vector.broadcast %gt3A : f32 to vector<1x512xf32>
    %gt3A_351 = arith.cmpf ogt, %get3A_1, %gt3A_350 : vector<1x512xf32>
    %jit3A = arith.constant 8.570880e+05 : f32
    %broadcast_in_dim3A_352 = vector.broadcast %jit3A : f32 to vector<1x512xf32>
    %select_n3A = arith.select %gt3A_351, %add3A_349, %broadcast_in_dim3A_352 : vector<1x512xi1>, vector<1x512xf32>
    %convert_element_type3A_353 = arith.fptosi %select_n3A : vector<1x512xf32> to vector<1x512xi32>
    %swap3A_354 = arith.constant 0 : index
    %swap3A_355 = arith.constant 0 : index
    %swap3A_356 = vector.load %arg6[%swap3A_354, %swap3A_355] : memref<1x512xi32, #tpu.memory_space<vmem>>, vector<1x512xi32>
    tpu.vector_store %arg6[%swap3A_354, %swap3A_355], %convert_element_type3A_353 {strides = array<i32>} : memref<1x512xi32, #tpu.memory_space<vmem>>, vector<1x512xi32>,
    %broadcast_in_dim3A_357 = arith.constant 0.000000e+00 : f32
    %broadcast_in_dim3A_358 = vector.broadcast %broadcast_in_dim3A_357 : f32 to vector<10720x64xf32>
    %swap3A_359 = arith.constant 0 : index
    %swap3A_360 = arith.constant 0 : index
    %swap3A_361 = vector.load %arg8[%swap3A_359, %swap3A_360] : memref<10720x64xf32, #tpu.memory_space<vmem>>, vector<10720x64xf32>
    tpu.vector_store %arg8[%swap3A_359, %swap3A_360], %broadcast_in_dim3A_358 {strides = array<i32>} : memref<10720x64xf32, #tpu.memory_space<vmem>>, vector<10720x64xf32>,
    return
  }
  func.func @transform_0(%arg0: i32) -> (i32, i32, i32) {
    %c0_i32 = arith.constant 0 : i32
    %c0_i32_0 = arith.constant 0 : i32
    %c0_i32_1 = arith.constant 0 : i32
    return %c0_i32, %c0_i32_0, %arg0 : i32, i32, i32
  }
  func.func @transform_1(%arg0: i32) -> (i32, i32) {
    %c0_i32 = arith.constant 0 : i32
    %c0_i32_0 = arith.constant 0 : i32
    return %c0_i32, %arg0 : i32, i32
  }
  func.func @transform_2(%arg0: i32) -> (i32, i32) {
    %c0_i32 = arith.constant 0 : i32
    %c0_i32_0 = arith.constant 0 : i32
    return %c0_i32, %arg0 : i32, i32
  }
  func.func @transform_3(%arg0: i32) -> (i32, i32) {
    %c0_i32 = arith.constant 0 : i32
    %c0_i32_0 = arith.constant 0 : i32
    %c0_i32_1 = arith.constant 0 : i32
    return %c0_i32, %c0_i32_0 : i32, i32
  }
  func.func @transform_4(%arg0: i32) -> (i32, i32) {
    %c0_i32 = arith.constant 0 : i32
    %c0_i32_0 = arith.constant 0 : i32
    return %arg0, %c0_i32 : i32, i32
  }
  func.func @transform_5(%arg0: i32) -> (i32, i32) {
    %c0_i32 = arith.constant 0 : i32
    %c0_i32_0 = arith.constant 0 : i32
    return %c0_i32, %arg0 : i32, i32
  }
  func.func @transform_6(%arg0: i32) -> (i32, i32) {
    %c0_i32 = arith.constant 0 : i32
    %c0_i32_0 = arith.constant 0 : i32
    %c0_i32_1 = arith.constant 0 : i32
    return %c0_i32, %c0_i32_0 : i32, i32
  }
  func.func @transform_7(%arg0: i32) -> (i32, i32) {
    %c0_i32 = arith.constant 0 : i32
    %c0_i32_0 = arith.constant 0 : i32
    return %arg0, %c0_i32 : i32, i32
  }
}

module attributes {stable_mosaic.version = 14 : i64} {
  func.func @_tr_body(%arg0: i32, %arg1: i32, %arg2: memref<3456x64xf32, #tpu.memory_space<vmem>>, %arg3: memref<1x64x8x432xf32, #tpu.memory_space<vmem>>) attributes {dimension_semantics = [#tpu.dimension_semantics<arbitrary>, #tpu.dimension_semantics<arbitrary>], iteration_bounds = array<i64: 4, 62>, scalar_prefetch = 0 : i64, scratch_operands = 0 : i64, tpu.core_type = #tpu.core_type<tc>, window_params = [{transform_indices = @transform_0, window_bounds = array<i64: 3456, 64>}, {transform_indices = @transform_1, window_bounds = array<i64: 1, 64, 8, 432>}]} {
    %get3A = arith.constant 0 : index
    %get3A_0 = arith.constant 0 : index
    %get3A_1 = vector.load %arg2[%get3A, %get3A_0] : memref<3456x64xf32, #tpu.memory_space<vmem>>, vector<3456x64xf32>
    %reshape3A = vector.shape_cast %get3A_1 : vector<3456x64xf32> to vector<8x432x64xf32>
    %transpose3A = tpu.transpose %reshape3A, [2, 0, 1] : vector<8x432x64xf32> -> vector<64x8x432xf32>
    %broadcast_in_dim3A = vector.shape_cast %transpose3A : vector<64x8x432xf32> to vector<1x64x8x432xf32>
    %swap3A = arith.constant 0 : index
    %swap3A_2 = arith.constant 0 : index
    %swap3A_3 = arith.constant 0 : index
    %swap3A_4 = arith.constant 0 : index
    %swap3A_5 = vector.load %arg3[%swap3A, %swap3A_2, %swap3A_3, %swap3A_4] : memref<1x64x8x432xf32, #tpu.memory_space<vmem>>, vector<1x64x8x432xf32>
    tpu.vector_store %arg3[%swap3A, %swap3A_2, %swap3A_3, %swap3A_4], %broadcast_in_dim3A {strides = array<i32>} : memref<1x64x8x432xf32, #tpu.memory_space<vmem>>, vector<1x64x8x432xf32>,
    return
  }
  func.func @transform_0(%arg0: i32, %arg1: i32) -> (i32, i32) {
    %mul3A = arith.constant 62 : i32
    %mul3A_0 = arith.muli %arg0, %mul3A : i32
    %add3A = arith.addi %mul3A_0, %arg1 : i32
    %c0_i32 = arith.constant 0 : i32
    %c0_i32_1 = arith.constant 0 : i32
    return %add3A, %c0_i32 : i32, i32
  }
  func.func @transform_1(%arg0: i32, %arg1: i32) -> (i32, i32, i32, i32) {
    %c0_i32 = arith.constant 0 : i32
    %c0_i32_0 = arith.constant 0 : i32
    %c0_i32_1 = arith.constant 0 : i32
    return %arg0, %c0_i32, %arg1, %c0_i32_0 : i32, i32, i32, i32
  }
}

</mosaic_0001>

<sc_bundles>
// kernel: kernel.5.cloned.1.call-start
scs
__scs_entry_jumppad:
0x0: {  	(pc) =	sbr.rel $0x88, $3  }
0x1: {  	(tag) =	ssettag $0x0;
	lr =	simm.s32 $0x1  }
0x2: {  	[smem:$0x3F9B] =	sst lr;
	_ =	strace $0xD0000000  }
0x3: {  	_ = 	snop  }
0x4: {  	_ = 	snop  }
0x5: {  	_ = 	snop  }
0x6: {  	_ = 	snop  }
0x7: {  	_ = 	snop  }
__scs_overlays_trampoline_lowered:
0x8: {  	[smem:$0x3FAA] =	sst s0  }
0x9: {  	[smem:$0x3FAB] =	sst s1  }
0xa: {  	[smem:$0x3FAC] =	sst s2  }
0xb: {  	[smem:$0x3FAD] =	sst s3  }
0xc: {  	[smem:$0x3FAE] =	sst s4  }
0xd: {  	[smem:$0x3FAF] =	sst s5  }
0xe: {  	[smem:$0x3FB0] =	sst s6  }
0xf: {  	[smem:$0x3FB1] =	sst s7  }
0x10: {  	[smem:$0x3FB2] =	sst s8  }
0x11: {  	[smem:$0x3FB3] =	sst s9;
	s0 =	simm.s32 @!p0 $0x0  }
0x12: {  	s1 =	sld [smem:$0x3F99];
	s0 =	simm.s32 @p0 $0x1  }
0x13: {  	[smem:$0x3FB4] =	sst s0;
	s0 =	simm.s32 @!p1 $0x0  }
0x14: {  	s2 =	sld [smem:$0x3F98];
	s0 =	simm.s32 @p1 $0x1  }
0x15: {  	[smem:$0x3FB5] =	sst s0;
	s0 =	simm.s32 @!p2 $0x0  }
0x16: {  	s3 =	sld [smem:$0x3FDB];
	s0 =	simm.s32 @p2 $0x1  }
0x17: {  	s4 =	simm.s32 $0x1BF5;
	[smem:$0x3FB7] =	sst s0  }
0x18: {  	s0 =	sld [smem:$0x3F9A];
	_ =	swait.ge [sflag:s4], $0x0  }
0x19: {  	s7 =	sld [smem:$0x3F9B]  }
0x1a: {  	s8 =	sadd.s32 $0xFFFFE003, lr  }
0x1b: {  	s9 =	sadd.s32 $0xFFFFFEF7, lr;
	s5 =	simm.s32 $0xFFFFFFFF;
	p2 =	slt.u32 s8, $0xFFFFF086  }
0x1c: {  	p1 =	slt.u32 s9, $0xF7A;
	s5 =	simm.s32 @!p2 $0x0  }
0x1d: {  	s5 =	simm.s32 @p1 $0x1;
	p0 =	seq.s32 s7, s2  }
0x1e: {  	s7 =	smul.u32 @!p0 $0xF7A, s2;
	p2 =	seq.s32 @!p0 s5, $0x0  }
0x1f: {  	s9 =	smul.u32 $0xF7A, s1;
	s8 =	simm.s32 @!p0 $0x1BF5;
	p2 =	por !p2, p0  }
0x20: {  	[sflag:s8] =	ssyncset.s32 @!p0 $0xFFFFF086;
	s6 =	sadd.s32 @!p0 s3, s7;
	s7 =	simm.s32 @!p0 $0x108  }
0x21: {  	s3 =	sadd.s32 s3, s9;
	s6 =	sadd.s32 @!p0 $0x88, s6;
	s7 =	simm.s32 @p2 $0x1082  }
0x22: {  	[simem:s7], [sflag:s8] =	dma.local @!p0 [hbm:s6], $0xF7A  }
0x23: {  	s9 =	sor.u32 $0xD0000000, s2;
	s6 =	simm.s32 $0x108;
	_ =	swait.ge @!p0 [sflag:s8], $0x0  }
0x24: {  	s3 =	sadd.s32 $0x88, s3;
	s6 =	simm.s32 @!p1 $0x1082;
	[sflag:s4] =	ssyncset.s32 $0xFFFFF086  }
0x25: {  	[simem:s6], [sflag:s4] =	dma.local [hbm:s3], $0xF7A  }
0x26: {  	[smem:$0x3F9B] =	sst s1;
	(tag) =	ssettag s2;
	_ =	strace s9  }
0x27: {  	s1 =	sld [smem:$0x3FAB]  }
0x28: {  	s2 =	sld [smem:$0x3FAC]  }
0x29: {  	s4 =	sld [smem:$0x3FAE]  }
0x2a: {  	p0 =	seq.s32 s5, $0x0;
	s5 =	sld [smem:$0x3FAF]  }
0x2b: {  	s6 =	sld [smem:$0x3FB0]  }
0x2c: {  	s7 =	sld [smem:$0x3FB1]  }
0x2d: {  	s3 =	simm.s32 $0x108;
	s8 =	sld [smem:$0x3FB2]  }
0x2e: {  	s3 =	simm.s32 @!p0 $0x1082;
	s9 =	sld [smem:$0x3FB3]  }
0x2f: {  	lr =	sadd.s32 s0, s3;
	s0 =	sld [smem:$0x3FAA]  }
0x30: {  	s3 =	sld [smem:$0x3FAD]  }
0x31: {  	[smem:$0x3FB6] =	sst s10  }
0x32: {  	s10 =	sld [smem:$0x3FB4];
	_ =	sdelay $0x3  }
0x33: {  	p0 =	seq.s32 s10, $0x1;
	s10 =	sld [smem:$0x3FB6];
	_ =	sdelay $0x3  }
0x34: {  	[smem:$0x3FB6] =	sst s10  }
0x35: {  	s10 =	sld [smem:$0x3FB5];
	_ =	sdelay $0x3  }
0x36: {  	p1 =	seq.s32 s10, $0x1;
	s10 =	sld [smem:$0x3FB6];
	_ =	sdelay $0x3  }
0x37: {  	[smem:$0x3FB6] =	sst s10  }
0x38: {  	s10 =	sld [smem:$0x3FB7]  }
0x39: {  	_ = 	snop;
	(pc) =	sbr.ind lr, $3  }
0x3a: {  	_ = 	snop  }
0x3b: {  	_ = 	snop  }
0x3c: {  	p2 =	seq.s32 s10, $0x1;
	s10 =	sld [smem:$0x3FB6]  }
0x3d: {  	_ =	shalt  }
0x3e: {  	_ =	shalt  }
0x3f: {  	_ =	shalt  }
0x40: {  	_ =	shalt  }
0x41: {  	_ =	shalt  }
0x42: {  	_ =	shalt  }
0x43: {  	_ =	shalt  }
0x44: {  	_ =	shalt  }
0x45: {  	_ =	shalt  }
0x46: {  	_ =	shalt  }
0x47: {  	_ =	shalt  }
0x48: {  	_ =	shalt  }
0x49: {  	_ =	shalt  }
0x4a: {  	_ =	shalt  }
0x4b: {  	_ =	shalt  }
0x4c: {  	_ =	shalt  }
0x4d: {  	_ =	shalt  }
0x4e: {  	_ =	shalt  }
0x4f: {  	_ =	shalt  }
0x50: {  	_ =	shalt  }
0x51: {  	_ =	shalt  }
0x52: {  	_ =	shalt  }
0x53: {  	_ =	shalt  }
0x54: {  	_ =	shalt  }
0x55: {  	_ =	shalt  }
0x56: {  	_ =	shalt  }
0x57: {  	_ =	shalt  }
0x58: {  	_ =	shalt  }
0x59: {  	_ =	shalt  }
0x5a: {  	_ =	shalt  }
0x5b: {  	_ =	shalt  }
0x5c: {  	_ =	shalt  }
0x5d: {  	_ =	shalt  }
0x5e: {  	_ =	shalt  }
0x5f: {  	_ =	shalt  }
0x60: {  	_ =	shalt  }
0x61: {  	_ =	shalt  }
0x62: {  	_ =	shalt  }
0x63: {  	_ =	shalt  }
0x64: {  	_ =	shalt  }
0x65: {  	_ =	shalt  }
0x66: {  	_ =	shalt  }
0x67: {  	_ =	shalt  }
0x68: {  	_ =	shalt  }
0x69: {  	_ =	shalt  }
0x6a: {  	_ =	shalt  }
0x6b: {  	_ =	shalt  }
0x6c: {  	_ =	shalt  }
0x6d: {  	_ =	shalt  }
0x6e: {  	_ =	shalt  }
0x6f: {  	_ =	shalt  }
0x70: {  	_ =	shalt  }
0x71: {  	_ =	shalt  }
0x72: {  	_ =	shalt  }
0x73: {  	_ =	shalt  }
0x74: {  	_ =	shalt  }
0x75: {  	_ =	shalt  }
0x76: {  	_ =	shalt  }
0x77: {  	_ =	shalt  }
0x78: {  	_ =	shalt  }
0x79: {  	_ =	shalt  }
0x7a: {  	_ =	shalt  }
0x7b: {  	_ =	shalt  }
0x7c: {  	_ =	shalt  }
0x7d: {  	_ =	shalt  }
0x7e: {  	_ =	shalt  }
0x7f: {  	_ =	shalt  }
0x80: {  	_ =	shalt  }
0x81: {  	_ =	shalt  }
0x82: {  	_ =	shalt  }
0x83: {  	_ =	shalt  }
0x84: {  	_ =	shalt  }
0x85: {  	_ =	shalt  }
0x86: {  	_ =	shalt  }
0x87: {  	_ =	shalt  }
.Lfunc_end0:
.L_simem_size_0:
called_computation_lowered:
.L_overlay_start_0:
0x88: {  	s2 =	sld [smem:$0x3FD9]  }
0x89: {  	s3 =	sld [smem:$0x3FFE];
	_ =	sdelay $0x1  }
0x8a: {  	s1 =	srdreg.scid  }
0x8b: {  	s0 =	sand.u32 $0x1, s1  }
0x8c: {  	s17 =	sshll.u32 s0, $0xA;
	s2 =	sadd.s32 s3, s2  }
0x8d: {  	s2 =	sadd.s32 s2, s17  }
0x8e: {  	[smem:$0x3FC2] =	sst s2  }
0x8f: {  	_ = 	snop  }
0x90: {  	s2 =	sld [smem:$0x3FC5]  }
0x91: {  	s18 =	sld [smem:$0x3FC4]  }
0x92: {  	s4 =	sld [smem:$0x3FD0];
	(tm) =	ssettm $0x1  }
0x93: {  	s5 =	sld [smem:$0x3FFB];
	_ =	sdelay $0x3  }
0x94: {  	_ =	strace s5  }
0x95: {  	s5 =	sld [smem:$0x3FFC];
	_ =	sdelay $0x3  }
0x96: {  	_ =	strace s5  }
0x97: {  	s5 =	sld [smem:$0x3FFD];
	_ =	sdelay $0x3  }
0x98: {  	_ =	strace s5  }
0x99: {  	_ =	strace $0x8FFFFFFF  }
0x9a: {  	s19 =	sld [smem:$0x3FDB];
	_ =	sdelay $0x1  }
0x9b: {  	s6 =	simm.s32 $_scs_section_size  }
0x9c: {  	s7 =	simm.s32 $_size__tile_overlayer_lowered;
	s8 =	simm.s32 $_tile_overlayer_lowered  }
0x9d: {  	s22 =	simm.s32 $0x1BFF;
	s21 =	sshll.u32 s8, $0x1;
	s5 =	sadd.s32 s6, s19  }
0x9e: {  	s9 =	simm.s32 $0x0;
	s20 =	sshll.u32 s7, $0x1;
	s7 =	sadd.s32 s21, s5  }
0x9f: {  	[timem:s9], [sflag:s22] =	dma.local [hbm:s7], s20  }
0xa0: {  	_ =	swait.ge [sflag:s22], s20  }
0xa1: {  	s6 =	ssub.s32 $0x0, s20;
	[sflag:s22] =	ssyncset.done $0x0  }
0xa2: {  	[sflag:s22] =	ssyncadd.s32 s6;
	_ =	sdelay $0x1  }
0xa3: {  	s23 =	simm.s32 $0x1B8B  }
0xa4: {  	_ =	swait.ge [sflag:s23], $0x1  }
0xa5: {  	[sflag:s23] =	ssyncset.done $0x0  }
0xa6: {  	s25 =	simm.s32 $0x1B8E;
	s24 =	sld [smem:$0x3FFE];
	[sflag:s23] =	ssyncadd.s32 $0xFFFFFFFF  }
0xa7: {  	s26 =	simm.s32 $execute0_lowered;
	[smem:$0x3FD2] =	sst s25  }
0xa8: {  	s7 =	sshll.u32 s26, $0x1;
	_ =	strace $0x80000046;
	[dreg:$0x1] =	wrdreg $0xFFFFFFFF  }
0xa9: {  	s28 =	simm.s32 $_size_execute0_lowered;
	s5 =	sadd.s32 s5, s7;
	[dreg:$0x0] =	wrdreg $0x0  }
0xaa: {  	s7 =	sshll.u32 s28, $0x1;
	[dreg:$0x2] =	wrdreg s5  }
0xab: {  	[dreg:$0x3] =	wrdreg s7  }
0xac: {  	[dreg:$0x4] =	wrdreg $0xC0  }
0xad: {  	_ =	task [dreg:s9], $0x5FFFF  }
0xae: {  	[dreg:$0x1] =	wrdreg $0xFFFFFFFF  }
0xaf: {  	[dreg:$0x0] =	wrdreg $0x60  }
0xb0: {  	[dreg:$0x2] =	wrdreg s4  }
0xb1: {  	[dreg:$0x3] =	wrdreg s24  }
0xb2: {  	[dreg:$0x4] =	wrdreg s2  }
0xb3: {  	[dreg:$0x5] =	wrdreg s18  }
0xb4: {  	[dreg:$0x6] =	wrdreg $0x11D700  }
0xb5: {  	[dreg:$0x7] =	wrdreg $0x9  }
0xb6: {  	_ =	task.clear_ibuf [dreg:s9], $0x8FFFF;
	_ =	strace $0x90000046  }
0xb7: {  	s29 =	simm.s32 $0x9;
	_ =	strace $0x80000048  }
0xb8: {  	_ =	swait.ge [sflag:s29], $0x1  }
0xb9: {  	[sflag:s29] =	ssyncadd.s32 $0xFFFFFFFF  }
0xba: {  	_ =	strace $0x90000048  }
0xbb: {  	_ =	sfence  }
0xbc: {  	s30 =	sld [smem:$0x0];
	_ =	sdelay $0x2  }
0xbd: {  	s31 =	sshll.u32 s1, $0xD;
	s1 =	sshrl.u32 s1, $0x2  }
0xbe: {  	s3 =	sand.u32 $0x4000, s31;
	s1 =	sadd.s32 s1, s30  }
0xbf: {  	s0 =	sor.u32 s3, s0;
	s1 =	sshll.u32 s1, $0x11  }
0xc0: {  	s0 =	sor.u32 s1, s0  }
0xc1: {  	s0 =	sadd.s32 $0x8F2B, s0  }
0xc2: {  	[sflag:s0] =	ssyncadd.remote.s32 $0x1  }
0xc3: {  	_ =	sfence.sel $0xFFFF  }
0xc4: {  	[dreg:$0x0] =	wrdreg $0xFFFFFFFF;
	(pc) =	sbr.abs _section_cstart, $3  }
0xc5: {  	[dreg:$0x1] =	wrdreg $0xFFFFFFFF  }
0xc6: {  	_ =	task.clear_ibuf [dreg:s9], $0x2FFFF;
	_ =	strace $0x9FFFFFFF  }
0xc7: {  	(tm) =	ssettm $0x7FFFFFFF  }
tec
execute0_lowered:
.L_overlay_start_1:
0x0: {  	(tag) =	ssettag $0x1  }
0x1: {  	s1 =	rddreg [dreg:$0x0]  }
0x2: {  	s0 =	rddreg [dreg:$0x1]  }
0x3: {  	s4 =	rddreg [dreg:$0x4]  }
0x4: {  	s6 =	simm.s32 $0x0;
	s2 =	srdreg.scid;
	s12 =	stileid.u32  }
0x5: {  	s28 =	simm.s32 $0x80;
	s29 =	simm.s32 $0x11950;
	s30 =	simm.s32 $0x119D0  }
0x6: {  	s31 =	simm.s32 $0xD150;
	[smem:$0x7FF] =	sst s6;
	s7 =	sadd.s32 $0xC00, s0  }
0x7: {  	s2 =	sand.u32 $0x1, s2;
	s3 =	sshll.u32 s12, $0x1;
	s9 =	smul.u32 $0xD140, s12  }
0x8: {  	s8 =	sadd.s32 $0xDB6C00, s0;
	s13 =	sadd.s32 $0xDB8000, s0;
	s19 =	smul.u32 $0xA00, s12  }
0x9: {  	s0 =	sadd.s32 $0xDB8010, s0;
	_ =	strace $0x80000047;
	s5 =	ssub.s32 $0x2, s2  }
0xa: {  	s3 =	sor.u32 s2, s3;
	[dreg:$0x6] =	wrdreg s13;
	s21 =	smul.u32 $0x500, s2  }
0xb: {  	[dreg:$0x8] =	wrdreg s0;
	s10 =	sshrl.u32 s5, $0x1;
	s11 =	smul.u32 $0xA0, s3  }
0xc: {  	s20 =	sadd.s32 s9, s4;
	s12 =	smul.u32 $0x500, s3;
	s13 =	sand.u32 $0x3, s3  }
0xd: {  	s3 =	simm.s32 $0x11AD0;
	s5 =	ssub.s32 s5, s10;
	[dreg:$0x7] =	wrdreg s20  }
0xe: {  	s23 =	sadd.s32 s21, s19;
	s24 =	sshll.u32 s13, $0x8;
	s20 =	simm.s32 $0x3  }
0xf: {  	s21 =	simm.s32 $0x11B50;
	s25 =	smax.u32 s5, $0x1;
	[dreg:$0xa] =	wrdreg s23  }
0x10: {  	s22 =	sand.u32 $0x1F80, s11;
	s26 =	sadd.s32 $0x11150, s24;
	[dreg:$0xb] =	wrdreg s25  }
0x11: {  	s0 =	sadd.s32 $0x111D0, s24;
	s5 =	simm.s32 $0x2;
	[dreg:$0xc] =	wrdreg s26  }
0x12: {  	s2 =	sadd.s32 s8, s22;
	[dreg:$0xe] =	wrdreg s0;
	s0 =	simm.s32 $0x1  }
0x13: {  	v1 =	vimm.s32 $0x40000000;
	v2 =	vlaneseq.u32;
	vm0 =	vcmask $0x3F3C;
	s22 =	simm.s32 $0xF150;
	[dreg:$0x9] =	wrdreg s2;
	s2 =	sor.u32 $0x80, s23  }
0x14: {  	v3 =	vor.u32 $0x80000000, v2;
	v4 =	vadd.s32 $0x1, v2;
	v0 =	vmov s9;
	s23 =	simm.s32 $0x0;
	[dreg:$0xd] =	wrdreg s2;
	s2 =	simm.s32 $0x11A50  }
.LBB2_1:
0x15: {  	[tilespmem:$0x11B60] =	vst v1;
	s11 =	simm.s32 $0x0;
	s15 =	simm.s32 $0x0  }
.LBB2_2:
0x16: {  	s9 =	sshll.u32 s15, $0x8  }
0x17: {  	s17 =	simm.s32 $0x0;
	s18 =	simm.s32 $0x11150;
	s9 =	sadd.s32 s8, s9  }
0x18: {  	[tilespmem:s18], [sflag:$0x3] =	stream.linear.gather [hbm4b:s9+s17], $0x800, $0x38;
	[tilespmem:$0x1EEB8] =	vst v63  }
0x19: {  	_ =	swait.ge [sflag:s20], $0x800  }
0x1a: {  	[sflag:s20] =	ssyncset.done $0x0  }
0x1b: {  	s19 =	smov.u32 s11;
	[sflag:s20] =	ssyncadd.s32 $0xFFFFF800  }
.LBB2_3:
0x1c: {  	v5 =	vmov s18;
	_ =	sdelay $0x3  }
0x1d: {  	s9 =	simm.s32 $0x0  }
0x1e: {  	v6 =	vld.idx.msk [tilespmem:v5+s9+$0x0 ss:$0x1], $0xffff;
	_ =	sdelay $0x4  }
0x1f: {  	v6 =	vsub.s32 v6, v0  }
0x20: {  	v6 =	vmin.u32 v6, $0xD140  }
0x21: {  	v6 =	vshll.u32 v6, $0x4  }
0x22: {  	v7 =	vor.u32 s19, v2;
	v6 =	vor.u32 v3, v6  }
0x23: {  	(xrf1) =	vsort.ascd.msk.u32 $0xffff, v6, v7;
	_ =	sdelay $0xd  }
0x24: {  	v7, v6, _ =	vpop (xrf1)  }
0x25: {  	v7 =	vxor.u32 $0x80000000, v7  }
0x26: {  	[tilespmem:$0x11B50] =	vst v7  }
0x27: {  	v8 =	vld.idx.msk [tilespmem:v4+s21+$0x0], $0xffff;
	_ =	sdelay $0x4  }
0x28: {  	v7 =	vshra.s32 v7, $0x4;
	v8 =	vshra.s32 v8, $0x4  }
0x29: {  	vm1 =	vne.s32 v7, v8  }
0x2a: {  	vm2 =	vlt.s32 v7, $0xD140;
	vm1 =	vmor vm1, vm0  }
0x2b: {  	s24 =	simm.s32 $0x40;
	s14 =	smov.u32 s19;
	s9 =	simm.s32 $0x80;
	vm1 =	vmand vm2, vm1  }
.LBB2_4:
0x2c: {  	_ =	sdelay $0x3  }
0x2d: {  	s16 =	sshra.s32 s24, $0x2  }
0x2e: {  	[tilespmem:v7+s6+$0x0] =	vst.idx.msk vm1, v6;
	s14 =	sadd.s32 $0x10, s14;
	s24 =	smov.u32 s9;
	s25 =	sadd.s32 $0x40, s9  }
0x2f: {  	p0 =	sne.s32 s9, $0x1C0;
	v6 =	vld.idx.msk [tilespmem:v5+s16+$0x0 ss:$0x1], $0xffff;
	_ =	sdelay $0x5  }
0x30: {  	v6 =	vsub.s32 v6, v0  }
0x31: {  	v6 =	vmin.u32 v6, $0xD140  }
0x32: {  	v6 =	vshll.u32 v6, $0x4  }
0x33: {  	v7 =	vor.u32 s14, v2;
	v6 =	vor.u32 v3, v6  }
0x34: {  	(xrf1) =	vsort.ascd.msk.u32 $0xffff, v6, v7;
	_ =	sdelay $0xd  }
0x35: {  	v7, v6, _ =	vpop (xrf1)  }
0x36: {  	v7 =	vxor.u32 $0x80000000, v7  }
0x37: {  	[tilespmem:$0x11B50] =	vst v7  }
0x38: {  	v8 =	vld.idx.msk [tilespmem:v4+s21+$0x0], $0xffff;
	_ =	sdelay $0x4  }
.Ltmp0:
0x39: {  	(pc) =	sbr.rel @p0 .LBB2_4-.Ltmp0, $4  }
0x3a: {  	v7 =	vshra.s32 v7, $0x4;
	v8 =	vshra.s32 v8, $0x4  }
0x3b: {  	vm1 =	vne.s32 v7, v8  }
0x3c: {  	vm2 =	vlt.s32 v7, $0xD140;
	vm1 =	vmor vm1, vm0  }
0x3d: {  	s9 =	smov.u32 s25;
	vm1 =	vmand vm2, vm1  }
0x3e: {  	_ =	sdelay $0x4  }
0x3f: {  	s9 =	sshra.s32 s24, $0x2;
	[tilespmem:v7+s6+$0x0] =	vst.idx.msk vm1, v6  }
0x40: {  	v5 =	vld.idx.msk [tilespmem:v5+s9+$0x0 ss:$0x1], $0xffff;
	_ =	sdelay $0x4  }
0x41: {  	v5 =	vsub.s32 v5, v0  }
0x42: {  	v5 =	vmin.u32 v5, $0xD140  }
0x43: {  	s26 =	sadd.s32 $0x10, s14;
	v5 =	vshll.u32 v5, $0x4  }
0x44: {  	v6 =	vor.u32 s26, v2;
	v5 =	vor.u32 v3, v5  }
0x45: {  	(xrf1) =	vsort.ascd.msk.u32 $0xffff, v5, v6;
	_ =	sdelay $0xd  }
0x46: {  	v5, v6, _ =	vpop (xrf1)  }
0x47: {  	v5 =	vxor.u32 $0x80000000, v5  }
0x48: {  	[tilespmem:$0x11B50] =	vst v5  }
0x49: {  	v7 =	vld.idx.msk [tilespmem:v4+s21+$0x0], $0xffff;
	_ =	sdelay $0x4  }
0x4a: {  	v5 =	vshra.s32 v5, $0x4;
	v7 =	vshra.s32 v7, $0x4  }
0x4b: {  	vm1 =	vne.s32 v5, v7  }
0x4c: {  	vm2 =	vlt.s32 v5, $0xD140;
	vm1 =	vmor vm1, vm0  }
0x4d: {  	s17 =	sadd.s32 $0x1, s17;
	vm1 =	vmand vm2, vm1  }
0x4e: {  	p0 =	sne.s32 s17, $0x10  }
.Ltmp1:
0x4f: {  	_ = 	snop;
	(pc) =	sbr.rel @p0 .LBB2_3-.Ltmp1, $2  }
0x50: {  	_ =	sdelay $0x2  }
0x51: {  	s19 =	sadd.s32 $0x80, s19;
	s18 =	sadd.s32 $0x80, s18;
	[tilespmem:v5+s6+$0x0] =	vst.idx.msk vm1, v6  }
0x52: {  	s15 =	sadd.s32 $0x1, s15  }
0x53: {  	p0 =	sne.s32 s15, $0x14  }
.Ltmp2:
0x54: {  	_ = 	snop;
	(pc) =	sbr.rel @p0 .LBB2_2-.Ltmp2, $3  }
0x55: {  	_ =	sdelay $0x1  }
0x56: {  	[bflag:$0x0] =	sbarrier.arrive $0xFFFF  }
0x57: {  	s11 =	sadd.s32 $0x800, s11  }
0x58: {  	s24 =	simm.s32 $0x0;
	s9 =	rddreg [dreg:$0x7]  }
0x59: {  	[spmem:s9] =	stream.linear.scatter [tilespmem:s24], [sflag:$0x3], $0xD140, $0x38;
	[tilespmem:$0x1EEB8] =	vst v63  }
0x5a: {  	_ =	swait.ge [sflag:s20], $0xD140  }
0x5b: {  	[sflag:s20] =	ssyncset.done $0x0  }
0x5c: {  	[sflag:s20] =	ssyncadd.s32 $0xFFFF2EC0  }
0x5d: {  	[bflag:$0x0] =	sbarrier.arrive $0xFFFF  }
0x5e: {  	s10 =	simm.s32 $0x11BF0;
	s11 =	rddreg [dreg:$0x6]  }
0x5f: {  	[tilespmem:s10], [sflag:$0x3] =	stream.linear.gather [hbm4b:s11+s24], $0x80, $0x38;
	[tilespmem:$0x1EEB8] =	vst v63  }
0x60: {  	_ =	swait.ge [sflag:s20], $0x80  }
0x61: {  	[sflag:s20] =	ssyncset.done $0x0  }
0x62: {  	s15 =	simm.s32 $0x11C70;
	s14 =	rddreg [dreg:$0x8];
	[sflag:s20] =	ssyncadd.s32 $0xFFFFFF80  }
0x63: {  	[tilespmem:s15], [sflag:$0x3] =	stream.linear.gather [hbm4b:s14+s24], $0x80, $0x38;
	[tilespmem:$0x1EEB8] =	vst v63  }
0x64: {  	_ =	swait.ge [sflag:s20], $0x80  }
0x65: {  	[sflag:s20] =	ssyncset.done $0x0  }
0x66: {  	[sflag:s20] =	ssyncadd.s32 $0xFFFFFF80  }
0x67: {  	s17 =	simm.s32 $0x11CF0;
	s16 =	rddreg [dreg:$0x2]  }
0x68: {  	[tilespmem:s17], [sflag:$0x3] =	stream.linear.gather [hbm4b:s16+s24], $0x40, $0x38;
	[tilespmem:$0x1EEB8] =	vst v63  }
0x69: {  	_ =	swait.ge [sflag:s20], $0x40  }
0x6a: {  	[sflag:s20] =	ssyncset.done $0x0  }
0x6b: {  	[sflag:s20] =	ssyncadd.s32 $0xFFFFFFC0  }
0x6c: {  	s19 =	simm.s32 $0x11D30;
	s18 =	rddreg [dreg:$0x3]  }
0x6d: {  	[tilespmem:s19], [sflag:$0x3] =	stream.linear.gather [hbm4b:s18+s24], $0x40, $0x38;
	[tilespmem:$0x1EEB8] =	vst v63  }
0x6e: {  	_ =	swait.ge [sflag:s20], $0x40  }
0x6f: {  	[sflag:s20] =	ssyncset.done $0x0  }
0x70: {  	[sflag:s20] =	ssyncadd.s32 $0xFFFFFFC0  }
0x71: {  	v5 =	vld [tilespmem:$0x11BF0]  }
0x72: {  	v6 =	vld [tilespmem:$0x11C70]  }
0x73: {  	v7 =	vld [tilespmem:$0x11C00]  }
0x74: {  	v10 =	vld [tilespmem:$0x11C20]  }
0x75: {  	v8 =	vld [tilespmem:$0x11C80]  }
0x76: {  	v13 =	vld [tilespmem:$0x11CA0]  }
0x77: {  	v9 =	vld [tilespmem:$0x11C10]  }
0x78: {  	v5 =	vmul.f32 $7.812499800e-07, v5;
	v6 =	vmul.f32 $7.812499800e-07, v6  }
0x79: {  	v12 =	vld [tilespmem:$0x11C90];
	v7 =	vmul.f32 $7.812499800e-07, v7;
	v10 =	vmul.f32 $7.812499800e-07, v10  }
0x7a: {  	v8 =	vmul.f32 $7.812499800e-07, v8;
	v11 =	vmul.f32 v5, v5  }
0x7b: {  	v13 =	vmul.f32 $7.812499800e-07, v13;
	v14 =	vmul.f32 v10, v10  }
0x7c: {  	v9 =	vmul.f32 $7.812499800e-07, v9;
	v6 =	vsub.f32 v6, v11;
	v11 =	vmul.f32 v7, v7  }
0x7d: {  	v13 =	vsub.f32 v13, v14  }
0x7e: {  	v8 =	vsub.f32 v8, v11;
	v11 =	vmul.f32 $7.812499800e-07, v12;
	v12 =	vmul.f32 v9, v9  }
0x7f: {  	v6 =	vadd.f32 $1.000000050e-03, v6  }
0x80: {  	v13 =	vadd.f32 $1.000000050e-03, v13;
	v11 =	vsub.f32 v11, v12  }
0x81: {  	v15 =	vshra.s32 v6, $0x1;
	v8 =	vadd.f32 $1.000000050e-03, v8;
	v6 =	vmul.f32 $5.000000000e-01, v6  }
0x82: {  	v18 =	vshra.s32 v13, $0x1;
	v12 =	vsub.s32 $0x5F3759DF, v15;
	v11 =	vadd.f32 $1.000000050e-03, v11  }
0x83: {  	v14 =	vshra.s32 v8, $0x1;
	v8 =	vmul.f32 $5.000000000e-01, v8;
	v15 =	vmul.f32 v12, v6  }
0x84: {  	v14 =	vsub.s32 $0x5F3759DF, v14;
	v17 =	vshra.s32 v11, $0x1;
	v11 =	vmul.f32 $5.000000000e-01, v11  }
0x85: {  	v13 =	vmul.f32 $5.000000000e-01, v13;
	v16 =	vmul.f32 v14, v8;
	v17 =	vsub.s32 $0x5F3759DF, v17  }
0x86: {  	v18 =	vsub.s32 $0x5F3759DF, v18;
	v15 =	vmul.f32 v12, v15;
	v19 =	vmul.f32 v17, v11  }
0x87: {  	v20 =	vmul.f32 v18, v13;
	v16 =	vmul.f32 v14, v16  }
0x88: {  	v15 =	vsub.f32 $1.500000000e+00, v15;
	v19 =	vmul.f32 v17, v19  }
0x89: {  	v20 =	vmul.f32 v18, v20;
	v16 =	vsub.f32 $1.500000000e+00, v16  }
0x8a: {  	v12 =	vmul.f32 v12, v15;
	v15 =	vsub.f32 $1.500000000e+00, v19  }
0x8b: {  	v52 =	vsub.f32 $1.500000000e+00, v20;
	v14 =	vmul.f32 v14, v16  }
0x8c: {  	v53 =	vmul.f32 v12, v6;
	v15 =	vmul.f32 v17, v15  }
0x8d: {  	v16 =	vmul.f32 v18, v52;
	v54 =	vmul.f32 v14, v8  }
0x8e: {  	v55 =	vmul.f32 v53, v12;
	v56 =	vmul.f32 v15, v11  }
0x8f: {  	v57 =	vmul.f32 v16, v13;
	v17 =	vmul.f32 v54, v14  }
0x90: {  	v18 =	vsub.f32 $1.500000000e+00, v55;
	v19 =	vmul.f32 v56, v15  }
0x91: {  	v20 =	vmul.f32 v57, v16;
	v17 =	vsub.f32 $1.500000000e+00, v17  }
0x92: {  	v12 =	vmul.f32 v18, v12;
	v58 =	vsub.f32 $1.500000000e+00, v19  }
0x93: {  	v59 =	vsub.f32 $1.500000000e+00, v20;
	v14 =	vmul.f32 v17, v14  }
0x94: {  	v6 =	vmul.f32 v12, v6;
	v15 =	vmul.f32 v58, v15  }
0x95: {  	v16 =	vmul.f32 v59, v16;
	v8 =	vmul.f32 v14, v8  }
0x96: {  	v6 =	vmul.f32 v6, v12;
	v11 =	vmul.f32 v15, v11  }
0x97: {  	v60 =	vld [tilespmem:$0x11CF0];
	v13 =	vmul.f32 v16, v13;
	v8 =	vmul.f32 v8, v14  }
0x98: {  	v61 =	vld [tilespmem:$0x11D00];
	v6 =	vsub.f32 $1.500000000e+00, v6;
	v11 =	vmul.f32 v11, v15  }
0x99: {  	v62 =	vld [tilespmem:$0x11D10];
	v13 =	vmul.f32 v13, v16;
	v8 =	vsub.f32 $1.500000000e+00, v8  }
0x9a: {  	v6 =	vmul.f32 v6, v12;
	v12 =	vld [tilespmem:$0x11D20];
	v11 =	vsub.f32 $1.500000000e+00, v11  }
0x9b: {  	v13 =	vsub.f32 $1.500000000e+00, v13;
	v8 =	vmul.f32 v8, v14;
	v14 =	vld [tilespmem:$0x11D30]  }
0x9c: {  	v6 =	vmul.f32 v6, v60;
	v11 =	vmul.f32 v11, v15;
	v15 =	vld [tilespmem:$0x11D40]  }
0x9d: {  	v63 =	vld [tilespmem:$0x11D50];
	v13 =	vmul.f32 v13, v16;
	v8 =	vmul.f32 v8, v61  }
0x9e: {  	v17 =	vmul.f32 v6, v5;
	[tilespmem:$0x11B70] =	vst v6;
	v6 =	vmul.f32 v11, v62;
	v11 =	vld [tilespmem:$0x11D60]  }
0x9f: {  	v7 =	vmul.f32 v8, v7;
	[tilespmem:$0x11B80] =	vst v8;
	v8 =	vmul.f32 v13, v12  }
0xa0: {  	v5 =	vld [tilespmem:$0x11B70];
	v12 =	vsub.f32 v14, v17;
	v9 =	vmul.f32 v6, v9;
	[tilespmem:$0x11B90] =	vst v6  }
0xa1: {  	v6 =	vld [tilespmem:$0x11B80];
	v10 =	vmul.f32 v8, v10;
	[tilespmem:$0x11BA0] =	vst v8;
	v13 =	vsub.f32 v15, v7  }
0xa2: {  	v7 =	vld [tilespmem:$0x11B90];
	[tilespmem:$0x11BB0] =	vst v12;
	v12 =	vsub.f32 v63, v9  }
0xa3: {  	v8 =	vld [tilespmem:$0x11BA0];
	[tilespmem:$0x11BC0] =	vst v13;
	v9 =	vsub.f32 v11, v10  }
0xa4: {  	v10 =	vld [tilespmem:$0x11BB0];
	[tilespmem:$0x11BD0] =	vst v12  }
0xa5: {  	s26 =	simm.s32 $0x11150;
	s25 =	rddreg [dreg:$0x9];
	v11 =	vld [tilespmem:$0x11BC0];
	[tilespmem:$0x11BE0] =	vst v9  }
0xa6: {  	v12 =	vld [tilespmem:$0x11BD0];
	[tilespmem:s26], [sflag:$0x3] =	stream.linear.gather [hbm4b:s25+s24], $0x800, $0x38  }
0xa7: {  	_ =	swait.ge [sflag:s20], $0x800  }
0xa8: {  	s19 =	rddreg [dreg:$0xe]  }
0xa9: {  	s18 =	rddreg [dreg:$0xd]  }
0xaa: {  	[sflag:s20] =	ssyncset.done $0x0;
	s17 =	rddreg [dreg:$0xc]  }
0xab: {  	s11 =	simm.s32 $0x0;
	s15 =	rddreg [dreg:$0xa];
	[sflag:s20] =	ssyncadd.s32 $0xFFFFF800  }
.LBB2_8:
0xac: {  	s9 =	sadd.s32 s13, s11  }
0xad: {  	s9 =	sshll.u32 s9, $0x8  }
0xae: {  	s14 =	sshll.u32 s11, $0x8;
	s9 =	sand.u32 $0x3FFFFF00, s9  }
0xaf: {  	s14 =	sadd.s32 s12, s14;
	s16 =	sadd.s32 $0x11150, s9  }
0xb0: {  	[tilespmem:s29], [sflag:$0x1] =	stream.indirect.gather [spmem:s4], $0x1, s16, s28, $0xb8;
	[tilespmem:$0x1EEB8] =	vst v63  }
0xb1: {  	s26 =	sshll.u32 s14, $0x3;
	s9 =	sadd.s32 $0x111D0, s9  }
0xb2: {  	[tilespmem:s30], [sflag:$0x1] =	stream.indirect.gather [spmem:s4], $0x1, s9, s28, $0xb8;
	[tilespmem:$0x1EEB8] =	vst v63  }
0xb3: {  	s9 =	sadd.s32 s7, s26  }
0xb4: {  	[tilespmem:s31], [sflag:$0x2] =	stream.linear.gather [hbm4b:s9+s24], $0x4000, $0x38;
	[tilespmem:$0x1EEB8] =	vst v63  }
0xb5: {  	_ =	swait.ge [sflag:s0], $0x80  }
0xb6: {  	[sflag:s0] =	ssyncset.done $0x0  }
0xb7: {  	[sflag:s0] =	ssyncadd.s32 $0xFFFFFF80  }
0xb8: {  	_ =	swait.ge [sflag:s0], $0x80  }
0xb9: {  	[sflag:s0] =	ssyncset.done $0x0  }
0xba: {  	[sflag:s0] =	ssyncadd.s32 $0xFFFFFF80  }
0xbb: {  	_ =	swait.ge [sflag:s5], $0x4000  }
0xbc: {  	[sflag:s5] =	ssyncset.done $0x0  }
0xbd: {  	s14 =	simm.s32 $0x0;
	[sflag:s5] =	ssyncadd.s32 $0xFFFFC000  }
0xbe: {  	v13 =	vld [tilespmem:s14+$0xD150]  }
0xbf: {  	v14 =	vld [tilespmem:s14+$0xD160]  }
0xc0: {  	s16 =	simm.s32 $0x100;
	v15 =	vld [tilespmem:s14+$0xD170]  }
.LBB2_9:
0xc1: {  	p0 =	sne.s32 s16, $0xFF00;
	v16 =	vld [tilespmem:s14+$0xD180];
	_ =	sdelay $0x1  }
0xc2: {  	v13 =	vmul.f32 v13, v5  }
0xc3: {  	v14 =	vmul.f32 v14, v6  }
0xc4: {  	v13 =	vadd.f32 v13, v10;
	v15 =	vmul.f32 v15, v7  }
0xc5: {  	v14 =	vadd.f32 v14, v11;
	v16 =	vmul.f32 v16, v8  }
.Ltmp3:
0xc6: {  	v13 =	vmax.f32 v13, $0.0e+00;
	v15 =	vadd.f32 v15, v12;
	(pc) =	sbr.rel @p0 .LBB2_9-.Ltmp3, $4  }
0xc7: {  	s9 =	sshra.s32 s16, $0x2;
	[tilespmem:s14+$0xD150] =	vst v13;
	v14 =	vmax.f32 v14, $0.0e+00;
	v16 =	vadd.f32 v16, v9  }
0xc8: {  	v13 =	vld [tilespmem:s9+$0xD150];
	[tilespmem:s14+$0xD160] =	vst v14;
	v15 =	vmax.f32 v15, $0.0e+00  }
0xc9: {  	v14 =	vld [tilespmem:s9+$0xD160];
	[tilespmem:s14+$0xD170] =	vst v15;
	v16 =	vmax.f32 v16, $0.0e+00  }
0xca: {  	s16 =	sadd.s32 $0x100, s16;
	v15 =	vld [tilespmem:s9+$0xD170];
	[tilespmem:s14+$0xD180] =	vst v16;
	s14 =	smov.u32 s9  }
0xcb: {  	v16 =	vld [tilespmem:s14+$0xD180];
	_ =	sdelay $0x1  }
0xcc: {  	v13 =	vmul.f32 v13, v5  }
0xcd: {  	v14 =	vmul.f32 v14, v6  }
0xce: {  	v13 =	vadd.f32 v13, v10;
	v15 =	vmul.f32 v15, v7  }
0xcf: {  	v14 =	vadd.f32 v14, v11;
	v16 =	vmul.f32 v16, v8  }
0xd0: {  	v13 =	vmax.f32 v13, $0.0e+00;
	v15 =	vadd.f32 v15, v12  }
0xd1: {  	[tilespmem:s14+$0xD150] =	vst v13;
	v13 =	vmax.f32 v14, $0.0e+00;
	v14 =	vadd.f32 v16, v9  }
0xd2: {  	[tilespmem:s14+$0xD160] =	vst v13;
	v13 =	vmax.f32 v15, $0.0e+00  }
0xd3: {  	[tilespmem:s14+$0xD170] =	vst v13;
	v13 =	vmax.f32 v14, $0.0e+00  }
0xd4: {  	s9 =	sadd.s32 $0x0, s17;
	[tilespmem:s14+$0xD180] =	vst v13  }
0xd5: {  	s14 =	simm.s32 $0x0;
	v13 =	vld [tilespmem:s9+$0x0]  }
0xd6: {  	v14 =	vld [tilespmem:s14+$0x11950];
	_ =	sdelay $0x3  }
0xd7: {  	v15 =	vor.u32 s15, v2;
	vm1 =	vlt.s32 v13, $0xD1400  }
0xd8: {  	s25 =	simm.s32 $0x10;
	vm2 =	veq.s32 v14, v15;
	v13 =	vnsel vm1, $0xD1400, v13  }
0xd9: {  	s26 =	simm.s32 $0x0;
	s16 =	smov.u32 s15;
	s9 =	simm.s32 $0x80;
	v13 =	vnsel vm2, $0xD1400, v13  }
.LBB2_11:
0xda: {  	p0 =	sne.s32 s9, $0x1C0;
	s10 =	sadd.s32 s25, s17;
	[tilespmem:s26+$0x11A50] =	vst v13;
	s26 =	smov.u32 s25  }
0xdb: {  	v13 =	vld [tilespmem:s10+$0x0]  }
0xdc: {  	v14 =	vld [tilespmem:s26+$0x11950];
	_ =	sdelay $0x1  }
.Ltmp4:
0xdd: {  	(pc) =	sbr.rel @p0 .LBB2_11-.Ltmp4, $4  }
0xde: {  	s16 =	sadd.s32 $0x10, s16  }
0xdf: {  	v15 =	vor.u32 s16, v2;
	vm1 =	vlt.s32 v13, $0xD1400  }
0xe0: {  	vm2 =	veq.s32 v14, v15;
	v13 =	vnsel vm1, $0xD1400, v13  }
0xe1: {  	s25 =	sshra.s32 s9, $0x2;
	s9 =	sadd.s32 $0x40, s9;
	v13 =	vnsel vm2, $0xD1400, v13  }
0xe2: {  	s9 =	sadd.s32 s25, s17;
	[tilespmem:s26+$0x11A50] =	vst v13  }
0xe3: {  	v13 =	vld [tilespmem:s9+$0x0]  }
0xe4: {  	v14 =	vld [tilespmem:s25+$0x11950];
	_ =	sdelay $0x2  }
0xe5: {  	s16 =	sadd.s32 $0x10, s16  }
0xe6: {  	v15 =	vor.u32 s16, v2;
	vm1 =	vlt.s32 v13, $0xD1400  }
0xe7: {  	vm2 =	veq.s32 v14, v15;
	v13 =	vnsel vm1, $0xD1400, v13  }
0xe8: {  	v13 =	vnsel vm2, $0xD1400, v13  }
0xe9: {  	s26 =	sadd.s32 $0x0, s19;
	[tilespmem:s25+$0x11A50] =	vst v13  }
0xea: {  	v13 =	vld [tilespmem:s26+$0x0]  }
0xeb: {  	v14 =	vld [tilespmem:s14+$0x119D0];
	_ =	sdelay $0x3  }
0xec: {  	v15 =	vor.u32 s18, v2;
	vm1 =	vlt.s32 v13, $0xD1400  }
0xed: {  	vm2 =	veq.s32 v14, v15;
	v13 =	vnsel vm1, $0xD1400, v13  }
0xee: {  	s9 =	simm.s32 $0x80;
	s16 =	smov.u32 s18;
	s25 =	simm.s32 $0x10;
	v13 =	vnsel vm2, $0xD1400, v13  }
.LBB2_13:
0xef: {  	p0 =	sne.s32 s9, $0x1C0;
	s10 =	sadd.s32 s25, s19;
	[tilespmem:s14+$0x11AD0] =	vst v13;
	s14 =	smov.u32 s25  }
0xf0: {  	v13 =	vld [tilespmem:s10+$0x0]  }
0xf1: {  	v14 =	vld [tilespmem:s14+$0x119D0];
	_ =	sdelay $0x1  }
.Ltmp5:
0xf2: {  	(pc) =	sbr.rel @p0 .LBB2_13-.Ltmp5, $4  }
0xf3: {  	s16 =	sadd.s32 $0x10, s16  }
0xf4: {  	v15 =	vor.u32 s16, v2;
	vm1 =	vlt.s32 v13, $0xD1400  }
0xf5: {  	vm2 =	veq.s32 v14, v15;
	v13 =	vnsel vm1, $0xD1400, v13  }
0xf6: {  	s25 =	sshra.s32 s9, $0x2;
	s9 =	sadd.s32 $0x40, s9;
	v13 =	vnsel vm2, $0xD1400, v13  }
0xf7: {  	s9 =	sadd.s32 s25, s19;
	[tilespmem:s14+$0x11AD0] =	vst v13  }
0xf8: {  	v13 =	vld [tilespmem:s9+$0x0]  }
0xf9: {  	v14 =	vld [tilespmem:s25+$0x119D0];
	_ =	sdelay $0x2  }
0xfa: {  	s26 =	sadd.s32 $0x10, s16  }
0xfb: {  	v15 =	vor.u32 s26, v2;
	vm1 =	vlt.s32 v13, $0xD1400  }
0xfc: {  	vm2 =	veq.s32 v14, v15;
	v13 =	vnsel vm1, $0xD1400, v13  }
0xfd: {  	v13 =	vnsel vm2, $0xD1400, v13  }
0xfe: {  	[tilespmem:s25+$0x11AD0] =	vst v13  }
0xff: {  	[hbm4b:s1+s28] =	stream.indirect.scatter [tilespmem:s31], [sflag:$0x1], $0x40, s2, s28, $0xb8;
	[tilespmem:$0x1EEB8] =	vst v63  }
0x100: {  	s11 =	sadd.s32 $0x1, s11  }
0x101: {  	[hbm4b:s1+s28] =	stream.indirect.scatter [tilespmem:s22], [sflag:$0x1], $0x40, s3, s28, $0xb8;
	[tilespmem:$0x1EEB8] =	vst v63  }
0x102: {  	p0 =	sne.s32 s11, $0x5;
	_ =	swait.ge [sflag:s0], $0x2000  }
.Ltmp6:
0x103: {  	[sflag:s0] =	ssyncset.done $0x0;
	(pc) =	sbr.rel @p0 .LBB2_8-.Ltmp6, $4  }
0x104: {  	[sflag:s0] =	ssyncadd.s32 $0xFFFFE000  }
0x105: {  	_ =	swait.ge [sflag:s0], $0x2000  }
0x106: {  	s15 =	sadd.s32 $0x100, s15;
	s17 =	sadd.s32 $0x100, s17;
	[sflag:s0] =	ssyncset.done $0x0  }
0x107: {  	s18 =	sadd.s32 $0x100, s18;
	s19 =	sadd.s32 $0x100, s19;
	[sflag:s0] =	ssyncadd.s32 $0xFFFFE000  }
0x108: {  	s23 =	sadd.s32 $0x1, s23;
	s9 =	rddreg [dreg:$0xb]  }
0x109: {  	p0 =	sne.s32 s23, s9  }
.Ltmp7:
0x10a: {  	_ = 	snop;
	(pc) =	sbr.rel @p0 .LBB2_1-.Ltmp7, $1  }
0x10b: {  	_ =	sdelay $0x3  }
0x10c: {  	_ =	sfence.sel $0x180000  }
0x10d: {  	[bflag:$0x0] =	sbarrier.arrive $0xFFFF  }
0x10e: {  	_ =	strace $0x90000047  }
0x10f: {  	s0 =	stileid.u32;
	[bflag:$0x2] =	sbarrier.arrive $0xFFFF  }
0x110: {  	p0 =	sne.s32 s0, $0x0;
	s0 =	rddreg [dreg:$0x5]  }
0x111: {  	s0 =	sadd.s32 @!p0 $0x100000, s0  }
0x112: {  	[sflag:s0] =	ssyncadd.tile.s32 @!p0 $0x1;
	_ =	shalt  }
.Lfunc_end2:
_tile_overlayer_lowered:
.L_overlay_start_2:
0x113: {  	(tag) =	ssettag $0x2  }
0x114: {  	s0 =	rddreg [dreg:$0x0];
	s2 =	stileid.u32  }
0x115: {  	s1 =	rddreg [dreg:$0x1];
	p0 =	sne.s32 s2, $0x0  }
0x116: {  	s3 =	rddreg [dreg:$0x2];
	[bflag:$0x3] =	sbarrier.arrive $0xFFFF;
	s2 =	simm.s32 @!p0 $0x1C03  }
0x117: {  	[timem:s3], [sflag:s2] =	dma.local @!p0 [hbm:s0], s1  }
0x118: {  	s0 =	simm.s32 @!p0 $0x3  }
0x119: {  	_ =	swait.ge @!p0 [sflag:s0], s1  }
0x11a: {  	s1 =	ssub.s32 @!p0 $0x0, s1;
	[sflag:s0] =	ssyncset.done @!p0 $0x0  }
0x11b: {  	[sflag:s0] =	ssyncadd.s32 @!p0 s1  }
0x11c: {  	[bflag:$0x3] =	sbarrier.arrive $0xFFFF  }
0x11d: {  	_ =	shalt  }

</sc_bundles>
